<compile_context>
chip_gen: v7x
topology: tpu7x:2x2x1
jax: 0.10.2.dev20260603
libtpu: 0.0.44.dev20260713+nightly
codegen_flags: <defaults>
</compile_context>

<pallas_src>
import functools

import jax
import jax.numpy as jnp
from jax import lax
from jax.experimental import pallas as pl
from jax.experimental.pallas import tpu as pltpu
from jax.experimental.pallas import tpu_sc as plsc

B = 16384
EMB = 64
IN_DIM = 3 * EMB
H1 = 128
H2 = 64

_HALF_U = 500480
_BC_U = 10880
_HALF_I = 51200
_BC_I = 10240
_HALF_G = 512
_BC_G = 512

_NC = 2
_NS = 16
_NW = _NC * _NS
_BPW = B // _NW
_CHUNK = 128
_NCHUNK = _BPW // _CHUNK


def _pack_body(l_ref, r_ref, o_ref):
    o_ref[...] = jnp.concatenate([l_ref[...].T, r_ref[...].T], axis=1)


def _pack(table_t, half, bc):
    nb = half // bc
    return pl.pallas_call(
        _pack_body,
        grid=(nb,),
        in_specs=[
            pl.BlockSpec((EMB, bc), lambda n: (0, n)),
            pl.BlockSpec((EMB, bc), lambda n, _nb=nb: (0, n + _nb)),
        ],
        out_specs=pl.BlockSpec((bc, 128), lambda n: (n, 0)),
        out_shape=jax.ShapeDtypeStruct((half, 128), jnp.float32),
    )(table_t, table_t)


def _gather_work(work, bufs, gsems, wsems):
    pending = [None, None]
    for k, (tab, ixv, out, base, j) in enumerate(work):
        slot = k % 2
        if pending[slot] is not None:
            pending[slot].wait()
            pending[slot] = None
        pltpu.async_copy(tab.at[ixv.at[j]], bufs[slot], gsems[slot]).wait()
        pending[slot] = pltpu.async_copy(
            bufs[slot], out.at[pl.ds(base + j * _CHUNK, _CHUNK)], wsems[slot])
    for p in pending:
        if p is not None:
            p.wait()


def _sc_gather_u_body(urow, utab, out_u, uix_v, rows_a, rows_b,
                      gsem_a, gsem_b, wsem_a, wsem_b):
    wid = lax.axis_index("s") * _NC + lax.axis_index("c")
    base = wid * _BPW
    pltpu.sync_copy(urow.at[pl.ds(wid * _NCHUNK, _NCHUNK)], uix_v)
    work = [(utab, uix_v, out_u, base, j) for j in range(_NCHUNK)]
    _gather_work(work, (rows_a, rows_b), (gsem_a, gsem_b), (wsem_a, wsem_b))


def _sc_gather_ig_body(irow, grow, itab, gtab, out_i, out_g,
                       iix_v, gix_v, rows_a, rows_b,
                       gsem_a, gsem_b, wsem_a, wsem_b):
    wid = lax.axis_index("s") * _NC + lax.axis_index("c")
    base = wid * _BPW
    pltpu.sync_copy(irow.at[pl.ds(wid * _NCHUNK, _NCHUNK)], iix_v)
    pltpu.sync_copy(grow.at[pl.ds(wid * _NCHUNK, _NCHUNK)], gix_v)
    work = [(itab, iix_v, out_i, base, j) for j in range(_NCHUNK)]
    work += [(gtab, gix_v, out_g, base, j) for j in range(_NCHUNK)]
    _gather_work(work, (rows_a, rows_b), (gsem_a, gsem_b), (wsem_a, wsem_b))


_SC_GATHER_U = functools.partial(
    pl.kernel,
    out_type=jax.ShapeDtypeStruct((B, 128), jnp.float32),
    mesh=plsc.VectorSubcoreMesh(core_axis_name="c", subcore_axis_name="s"),
    compiler_params=pltpu.CompilerParams(use_tc_tiling_on_sc=False),
    scratch_types=[
        pltpu.VMEM((_NCHUNK, _CHUNK), jnp.int32),
        pltpu.VMEM((_CHUNK, 128), jnp.float32),
        pltpu.VMEM((_CHUNK, 128), jnp.float32),
        pltpu.SemaphoreType.DMA,
        pltpu.SemaphoreType.DMA,
        pltpu.SemaphoreType.DMA,
        pltpu.SemaphoreType.DMA,
    ],
)(_sc_gather_u_body)


_SC_GATHER_IG = functools.partial(
    pl.kernel,
    out_type=[jax.ShapeDtypeStruct((B, 128), jnp.float32)] * 2,
    mesh=plsc.VectorSubcoreMesh(core_axis_name="c", subcore_axis_name="s"),
    compiler_params=pltpu.CompilerParams(use_tc_tiling_on_sc=False),
    scratch_types=[
        pltpu.VMEM((_NCHUNK, _CHUNK), jnp.int32),
        pltpu.VMEM((_NCHUNK, _CHUNK), jnp.int32),
        pltpu.VMEM((_CHUNK, 128), jnp.float32),
        pltpu.VMEM((_CHUNK, 128), jnp.float32),
        pltpu.SemaphoreType.DMA,
        pltpu.SemaphoreType.DMA,
        pltpu.SemaphoreType.DMA,
        pltpu.SemaphoreType.DMA,
    ],
)(_sc_gather_ig_body)


_BLK = 4096


def _mlp_body(u_ref, i_ref, g_ref, m_ref,
              w1_ref, b1_ref, w2t_ref, b2_ref, o_ref):
    m = m_ref[...]
    xu = jnp.where((m & 1) != 0, u_ref[:, 64:128], u_ref[:, 0:64])
    xi = jnp.where((m & 2) != 0, i_ref[:, 64:128], i_ref[:, 0:64])
    xg = jnp.where((m & 4) != 0, g_ref[:, 64:128], g_ref[:, 0:64])
    x = jnp.concatenate([xu, xi, xg], axis=1)
    h = jnp.dot(x, w1_ref[...], preferred_element_type=jnp.float32) + b1_ref[...]
    h = jnp.maximum(h, 0.0)
    o = lax.dot_general(h, w2t_ref[...], (((1,), (1,)), ((), ())),
                        preferred_element_type=jnp.float32) + b2_ref[...]
    o_ref[...] = jnp.maximum(o, 0.0).T


def _tc_mlp(u, i, g, m, W1, b1, W2t, b2):
    return pl.pallas_call(
        _mlp_body,
        grid=(B // _BLK,),
        in_specs=[
            pl.BlockSpec((_BLK, 128), lambda n: (n, 0)),
            pl.BlockSpec((_BLK, 128), lambda n: (n, 0)),
            pl.BlockSpec((_BLK, 128), lambda n: (n, 0)),
            pl.BlockSpec((_BLK, 1), lambda n: (n, 0)),
            pl.BlockSpec((IN_DIM, H1), lambda n: (0, 0)),
            pl.BlockSpec((1, H1), lambda n: (0, 0)),
            pl.BlockSpec((H2, H1), lambda n: (0, 0)),
            pl.BlockSpec((1, H2), lambda n: (0, 0)),
        ],
        out_specs=pl.BlockSpec((H2, _BLK), lambda n: (0, n)),
        out_shape=jax.ShapeDtypeStruct((H2, B), jnp.float32),
    )(u, i, g, m, W1, b1.reshape(1, H1), W2t, b2.reshape(1, H2))


def kernel(user_input, item_input, genre_input, user_table, item_table,
           genre_table, W1, b1, W2, b2):
    ip = _pack(item_table.T, _HALF_I, _BC_I)
    gp = _pack(genre_table.T, _HALF_G, _BC_G)
    ut, ip, gp = lax.optimization_barrier((user_table.T, ip, gp))
    up = _pack(ut, _HALF_U, _BC_U)

    urow = jnp.where(user_input >= _HALF_U, user_input - _HALF_U,
                     user_input).reshape(B // _CHUNK, _CHUNK)
    irow = jnp.where(item_input >= _HALF_I, item_input - _HALF_I,
                     item_input).reshape(B // _CHUNK, _CHUNK)
    grow = jnp.where(genre_input >= _HALF_G, genre_input - _HALF_G,
                     genre_input).reshape(B // _CHUNK, _CHUNK)
    m = ((user_input >= _HALF_U).astype(jnp.int32)
         + 2 * (item_input >= _HALF_I).astype(jnp.int32)
         + 4 * (genre_input >= _HALF_G).astype(jnp.int32)).reshape(B, 1)

    i, g = _SC_GATHER_IG(irow, grow, ip, gp)
    u = _SC_GATHER_U(urow, up)
    return _tc_mlp(u, i, g, m, W1, b1, W2.T, b2).T

# --- scband reference (transcript-rebuilt; emitter-appended) ---
"""Pipeline reference for scband-mlp-60773787238822 (READ-ONLY COPY).

The authoritative reference and input builder live on the scoring server;
editing this copy changes nothing except your own understanding.
"""

import jax, jax.numpy as jnp
import numpy as np

NUM_USERS = 1000000
NUM_ITEMS = 100000
NUM_GENRES = 1000
LAYERS = [128, 64]
EMB_DIM = LAYERS[0] // 2  # 64
BATCH = 16384


def setup_inputs(seed: int = 0) -> dict:
    key = jax.random.key(seed)
    ks = jax.random.split(key, 10)
    user_input = jax.random.randint(ks[0], (BATCH,), 0, NUM_USERS, dtype=jnp.int32)
    item_input = jax.random.randint(ks[1], (BATCH,), 0, NUM_ITEMS, dtype=jnp.int32)
    genre_input = jax.random.randint(ks[2], (BATCH,), 0, NUM_GENRES, dtype=jnp.int32)
    # embedding tables (RandomNormal stddev=0.01)
    user_table = jax.random.normal(ks[3], (NUM_USERS, EMB_DIM), dtype=jnp.float32) * 0.01
    item_table = jax.random.normal(ks[4], (NUM_ITEMS, EMB_DIM), dtype=jnp.float32) * 0.01
    genre_table = jax.random.normal(ks[5], (NUM_GENRES, EMB_DIM), dtype=jnp.float32) * 0.01
    # dense layers: in=3*EMB_DIM -> 128 -> 64, relu
    in_dim = 3 * EMB_DIM
    W1 = jax.random.normal(ks[6], (in_dim, LAYERS[0]), dtype=jnp.float32) * (1.0 / np.sqrt(in_dim))
    b1 = jnp.zeros((LAYERS[0],), dtype=jnp.float32)
    W2 = jax.random.normal(ks[7], (LAYERS[0], LAYERS[1]), dtype=jnp.float32) * (1.0 / np.sqrt(LAYERS[0]))
    b2 = jnp.zeros((LAYERS[1],), dtype=jnp.float32)
    return {
        "user_input": user_input,
        "item_input": item_input,
        "genre_input": genre_input,
        "user_table": user_table,
        "item_table": item_table,
        "genre_table": genre_table,
        "W1": W1, "b1": b1, "W2": W2, "b2": b2,
    }


def reference(user_input, item_input, genre_input, user_table, item_table, genre_table, W1, b1, W2, b2):
    user_latent = jnp.take(user_table, user_input, axis=0)    # [B, 64]
    item_latent = jnp.take(item_table, item_input, axis=0)    # [B, 64]
    genre_latent = jnp.take(genre_table, genre_input, axis=0)  # [B, 64]
    concat = jnp.concatenate([user_latent, item_latent, genre_latent], axis=-1)  # [B, 192]
    h = jax.nn.relu(concat @ W1 + b1)
    out = jax.nn.relu(h @ W2 + b2)
    return out

if __name__ == "__main__":
    import jax
    _d = setup_inputs()
    print(jax.jit(kernel)(*tuple(_d.values())))

</pallas_src>

<mosaic_0001>
#map = affine_map<(d0, d1) -> (0, 0)>
module attributes {stable_mosaic.version = 14 : i64} {
  func.func @_sc_gather_ig_body(%arg0: i32, %arg1: i32, %arg2: memref<128x128xi32, #tpu.memory_space<hbm>>, %arg3: memref<128x128xi32, #tpu.memory_space<hbm>>, %arg4: memref<51200x128xf32, #tpu.memory_space<hbm>>, %arg5: memref<512x128xf32, #tpu.memory_space<hbm>>, %arg6: memref<16384x128xf32, #tpu.memory_space<hbm>>, %arg7: memref<16384x128xf32, #tpu.memory_space<hbm>>, %arg8: memref<4x128xi32, #tpu.memory_space<vmem>>, %arg9: memref<4x128xi32, #tpu.memory_space<vmem>>, %arg10: memref<128x128xf32, #tpu.memory_space<vmem>>, %arg11: memref<128x128xf32, #tpu.memory_space<vmem>>, %arg12: memref<!tpu.dma_semaphore, #tpu.memory_space<semaphore_mem>>, %arg13: memref<!tpu.dma_semaphore, #tpu.memory_space<semaphore_mem>>, %arg14: memref<!tpu.dma_semaphore, #tpu.memory_space<semaphore_mem>>, %arg15: memref<!tpu.dma_semaphore, #tpu.memory_space<semaphore_mem>>) attributes {dimension_semantics = [#tpu.dimension_semantics<core_parallel>, #tpu.dimension_semantics<subcore_parallel>], iteration_bounds = array<i64: 2, 16>, scalar_prefetch = 0 : i64, scratch_operands = 8 : i64, tpu.core_type = #tpu.core_type<sc_vector_subcore>, window_params = [{transform_indices = #map}, {transform_indices = #map}, {transform_indices = #map}, {transform_indices = #map}, {transform_indices = #map}, {transform_indices = #map}]} {
    %mul3A = arith.constant 2 : i32
    %mul3A_0 = arith.muli %arg1, %mul3A : i32
    %add3A = arith.addi %mul3A_0, %arg0 : i32
    %mul3A_1 = arith.constant 512 : i32
    %mul3A_2 = arith.muli %add3A, %mul3A_1 : i32
    %mul3A_3 = arith.constant 4 : i32
    %mul3A_4 = arith.muli %add3A, %mul3A_3 : i32
    "tpu.region"() ({
      %run_scoped3A = tpu.sem_alloc : memref<!tpu.dma_semaphore, #tpu.memory_space<semaphore_mem>>
      %dma_start3A_197 = arith.constant 0 : i32
      %dma_start3A_198 = tpu.memref_slice %arg2[%mul3A_4, %dma_start3A_197] : memref<128x128xi32, #tpu.memory_space<hbm>> -> memref<4x128xi32, #tpu.memory_space<hbm>>
      %dma_start3A_199 = arith.constant 0 : i32
      %dma_start3A_200 = tpu.memref_slice %arg2[%mul3A_4, %dma_start3A_199] : memref<128x128xi32, #tpu.memory_space<hbm>> -> memref<4x128xi32, #tpu.memory_space<hbm>>
      tpu.enqueue_dma source(%dma_start3A_200 : memref<4x128xi32, #tpu.memory_space<hbm>>) target(%arg8 : memref<4x128xi32, #tpu.memory_space<vmem>>) target_semaphore(%run_scoped3A : memref<!tpu.dma_semaphore, #tpu.memory_space<semaphore_mem>>)
      %dma_wait3A_201 = arith.constant 0 : i32
      %dma_wait3A_202 = tpu.memref_slice %arg2[%mul3A_4, %dma_wait3A_201] : memref<128x128xi32, #tpu.memory_space<hbm>> -> memref<4x128xi32, #tpu.memory_space<hbm>>
      %dma_wait3A_203 = arith.constant 0 : i32
      %dma_wait3A_204 = tpu.memref_slice %arg2[%mul3A_4, %dma_wait3A_203] : memref<128x128xi32, #tpu.memory_space<hbm>> -> memref<4x128xi32, #tpu.memory_space<hbm>>
      tpu.wait_dma2 semaphore(%run_scoped3A : memref<!tpu.dma_semaphore, #tpu.memory_space<semaphore_mem>>) src(%dma_wait3A_204 : memref<4x128xi32, #tpu.memory_space<hbm>>) dst(%arg8 : memref<4x128xi32, #tpu.memory_space<vmem>>)
      tpu.yield
    }) : () -> ()
    %mul3A_5 = arith.constant 4 : i32
    %mul3A_6 = arith.muli %add3A, %mul3A_5 : i32
    "tpu.region"() ({
      %run_scoped3A = tpu.sem_alloc : memref<!tpu.dma_semaphore, #tpu.memory_space<semaphore_mem>>
      %dma_start3A_197 = arith.constant 0 : i32
      %dma_start3A_198 = tpu.memref_slice %arg3[%mul3A_6, %dma_start3A_197] : memref<128x128xi32, #tpu.memory_space<hbm>> -> memref<4x128xi32, #tpu.memory_space<hbm>>
      %dma_start3A_199 = arith.constant 0 : i32
      %dma_start3A_200 = tpu.memref_slice %arg3[%mul3A_6, %dma_start3A_199] : memref<128x128xi32, #tpu.memory_space<hbm>> -> memref<4x128xi32, #tpu.memory_space<hbm>>
      tpu.enqueue_dma source(%dma_start3A_200 : memref<4x128xi32, #tpu.memory_space<hbm>>) target(%arg9 : memref<4x128xi32, #tpu.memory_space<vmem>>) target_semaphore(%run_scoped3A : memref<!tpu.dma_semaphore, #tpu.memory_space<semaphore_mem>>)
      %dma_wait3A_201 = arith.constant 0 : i32
      %dma_wait3A_202 = tpu.memref_slice %arg3[%mul3A_6, %dma_wait3A_201] : memref<128x128xi32, #tpu.memory_space<hbm>> -> memref<4x128xi32, #tpu.memory_space<hbm>>
      %dma_wait3A_203 = arith.constant 0 : i32
      %dma_wait3A_204 = tpu.memref_slice %arg3[%mul3A_6, %dma_wait3A_203] : memref<128x128xi32, #tpu.memory_space<hbm>> -> memref<4x128xi32, #tpu.memory_space<hbm>>
      tpu.wait_dma2 semaphore(%run_scoped3A : memref<!tpu.dma_semaphore, #tpu.memory_space<semaphore_mem>>) src(%dma_wait3A_204 : memref<4x128xi32, #tpu.memory_space<hbm>>) dst(%arg9 : memref<4x128xi32, #tpu.memory_space<vmem>>)
      tpu.yield
    }) : () -> ()
    %dma_start3A = arith.constant 0 : i32
    %dma_start3A_7 = arith.constant 0 : i32
    %dma_start3A_8 = tpu.memref_slice %arg8[%dma_start3A, %dma_start3A_7] : memref<4x128xi32, #tpu.memory_space<vmem>> -> memref<1x128xi32, #tpu.memory_space<vmem>>
    %dma_start3A_9 = tpu.memref_squeeze %dma_start3A_8 : memref<1x128xi32, #tpu.memory_space<vmem>> -> memref<128xi32, #tpu.memory_space<vmem>>
    %dma_start3A_10 = arith.constant 0 : i32
    %dma_start3A_11 = arith.constant 0 : i32
    %dma_start3A_12 = tpu.memref_slice %arg4[%dma_start3A_10, %dma_start3A_11] : memref<51200x128xf32, #tpu.memory_space<hbm>> -> memref<51200x128xf32, #tpu.memory_space<hbm>>
    tpu.enqueue_indirect_dma source(%dma_start3A_12 : memref<51200x128xf32, #tpu.memory_space<hbm>>) target(%arg10 : memref<128x128xf32, #tpu.memory_space<vmem>>) offsets(%dma_start3A_9 : memref<128xi32, #tpu.memory_space<vmem>>) semaphore(%arg12 : memref<!tpu.dma_semaphore, #tpu.memory_space<semaphore_mem>>)
    %dma_wait3A = arith.constant 0 : i32
    %dma_wait3A_13 = arith.constant 0 : i32
    %dma_wait3A_14 = tpu.memref_slice %arg8[%dma_wait3A, %dma_wait3A_13] : memref<4x128xi32, #tpu.memory_space<vmem>> -> memref<1x128xi32, #tpu.memory_space<vmem>>
    %dma_wait3A_15 = tpu.memref_squeeze %dma_wait3A_14 : memref<1x128xi32, #tpu.memory_space<vmem>> -> memref<128xi32, #tpu.memory_space<vmem>>
    %dma_wait3A_16 = arith.constant 0 : i32
    %dma_wait3A_17 = arith.constant 0 : i32
    %dma_wait3A_18 = tpu.memref_slice %arg4[%dma_wait3A_16, %dma_wait3A_17] : memref<51200x128xf32, #tpu.memory_space<hbm>> -> memref<51200x128xf32, #tpu.memory_space<hbm>>
    tpu.wait_indirect_dma semaphore(%arg12 : memref<!tpu.dma_semaphore, #tpu.memory_space<semaphore_mem>>) src(%dma_wait3A_18 : memref<51200x128xf32, #tpu.memory_space<hbm>>) dst(%arg10 : memref<128x128xf32, #tpu.memory_space<vmem>>)
    %add3A_19 = arith.constant 0 : i32
    %add3A_20 = arith.addi %mul3A_2, %add3A_19 : i32
    %dma_start3A_21 = arith.constant 0 : i32
    %dma_start3A_22 = tpu.memref_slice %arg6[%add3A_20, %dma_start3A_21] : memref<16384x128xf32, #tpu.memory_space<hbm>> -> memref<128x128xf32, #tpu.memory_space<hbm>>
    %dma_start3A_23 = arith.constant 0 : i32
    %dma_start3A_24 = tpu.memref_slice %arg6[%add3A_20, %dma_start3A_23] : memref<16384x128xf32, #tpu.memory_space<hbm>> -> memref<128x128xf32, #tpu.memory_space<hbm>>
    tpu.enqueue_dma source(%arg10 : memref<128x128xf32, #tpu.memory_space<vmem>>) target(%dma_start3A_24 : memref<128x128xf32, #tpu.memory_space<hbm>>) target_semaphore(%arg14 : memref<!tpu.dma_semaphore, #tpu.memory_space<semaphore_mem>>)
    %dma_start3A_25 = arith.constant 1 : i32
    %dma_start3A_26 = arith.constant 0 : i32
    %dma_start3A_27 = tpu.memref_slice %arg8[%dma_start3A_25, %dma_start3A_26] : memref<4x128xi32, #tpu.memory_space<vmem>> -> memref<1x128xi32, #tpu.memory_space<vmem>>
    %dma_start3A_28 = tpu.memref_squeeze %dma_start3A_27 : memref<1x128xi32, #tpu.memory_space<vmem>> -> memref<128xi32, #tpu.memory_space<vmem>>
    %dma_start3A_29 = arith.constant 0 : i32
    %dma_start3A_30 = arith.constant 0 : i32
    %dma_start3A_31 = tpu.memref_slice %arg4[%dma_start3A_29, %dma_start3A_30] : memref<51200x128xf32, #tpu.memory_space<hbm>> -> memref<51200x128xf32, #tpu.memory_space<hbm>>
    tpu.enqueue_indirect_dma source(%dma_start3A_31 : memref<51200x128xf32, #tpu.memory_space<hbm>>) target(%arg11 : memref<128x128xf32, #tpu.memory_space<vmem>>) offsets(%dma_start3A_28 : memref<128xi32, #tpu.memory_space<vmem>>) semaphore(%arg13 : memref<!tpu.dma_semaphore, #tpu.memory_space<semaphore_mem>>)
    %dma_wait3A_32 = arith.constant 1 : i32
    %dma_wait3A_33 = arith.constant 0 : i32
    %dma_wait3A_34 = tpu.memref_slice %arg8[%dma_wait3A_32, %dma_wait3A_33] : memref<4x128xi32, #tpu.memory_space<vmem>> -> memref<1x128xi32, #tpu.memory_space<vmem>>
    %dma_wait3A_35 = tpu.memref_squeeze %dma_wait3A_34 : memref<1x128xi32, #tpu.memory_space<vmem>> -> memref<128xi32, #tpu.memory_space<vmem>>
    %dma_wait3A_36 = arith.constant 0 : i32
    %dma_wait3A_37 = arith.constant 0 : i32
    %dma_wait3A_38 = tpu.memref_slice %arg4[%dma_wait3A_36, %dma_wait3A_37] : memref<51200x128xf32, #tpu.memory_space<hbm>> -> memref<51200x128xf32, #tpu.memory_space<hbm>>
    tpu.wait_indirect_dma semaphore(%arg13 : memref<!tpu.dma_semaphore, #tpu.memory_space<semaphore_mem>>) src(%dma_wait3A_38 : memref<51200x128xf32, #tpu.memory_space<hbm>>) dst(%arg11 : memref<128x128xf32, #tpu.memory_space<vmem>>)
    %add3A_39 = arith.constant 128 : i32
    %add3A_40 = arith.addi %mul3A_2, %add3A_39 : i32
    %dma_start3A_41 = arith.constant 0 : i32
    %dma_start3A_42 = tpu.memref_slice %arg6[%add3A_40, %dma_start3A_41] : memref<16384x128xf32, #tpu.memory_space<hbm>> -> memref<128x128xf32, #tpu.memory_space<hbm>>
    %dma_start3A_43 = arith.constant 0 : i32
    %dma_start3A_44 = tpu.memref_slice %arg6[%add3A_40, %dma_start3A_43] : memref<16384x128xf32, #tpu.memory_space<hbm>> -> memref<128x128xf32, #tpu.memory_space<hbm>>
    tpu.enqueue_dma source(%arg11 : memref<128x128xf32, #tpu.memory_space<vmem>>) target(%dma_start3A_44 : memref<128x128xf32, #tpu.memory_space<hbm>>) target_semaphore(%arg15 : memref<!tpu.dma_semaphore, #tpu.memory_space<semaphore_mem>>)
    %dma_wait3A_45 = arith.constant 0 : i32
    %dma_wait3A_46 = tpu.memref_slice %arg6[%add3A_20, %dma_wait3A_45] : memref<16384x128xf32, #tpu.memory_space<hbm>> -> memref<128x128xf32, #tpu.memory_space<hbm>>
    %dma_wait3A_47 = arith.constant 0 : i32
    %dma_wait3A_48 = tpu.memref_slice %arg6[%add3A_20, %dma_wait3A_47] : memref<16384x128xf32, #tpu.memory_space<hbm>> -> memref<128x128xf32, #tpu.memory_space<hbm>>
    tpu.wait_dma2 semaphore(%arg14 : memref<!tpu.dma_semaphore, #tpu.memory_space<semaphore_mem>>) src(%arg10 : memref<128x128xf32, #tpu.memory_space<vmem>>) dst(%dma_wait3A_48 : memref<128x128xf32, #tpu.memory_space<hbm>>)
    %dma_start3A_49 = arith.constant 2 : i32
    %dma_start3A_50 = arith.constant 0 : i32
    %dma_start3A_51 = tpu.memref_slice %arg8[%dma_start3A_49, %dma_start3A_50] : memref<4x128xi32, #tpu.memory_space<vmem>> -> memref<1x128xi32, #tpu.memory_space<vmem>>
    %dma_start3A_52 = tpu.memref_squeeze %dma_start3A_51 : memref<1x128xi32, #tpu.memory_space<vmem>> -> memref<128xi32, #tpu.memory_space<vmem>>
    %dma_start3A_53 = arith.constant 0 : i32
    %dma_start3A_54 = arith.constant 0 : i32
    %dma_start3A_55 = tpu.memref_slice %arg4[%dma_start3A_53, %dma_start3A_54] : memref<51200x128xf32, #tpu.memory_space<hbm>> -> memref<51200x128xf32, #tpu.memory_space<hbm>>
    tpu.enqueue_indirect_dma source(%dma_start3A_55 : memref<51200x128xf32, #tpu.memory_space<hbm>>) target(%arg10 : memref<128x128xf32, #tpu.memory_space<vmem>>) offsets(%dma_start3A_52 : memref<128xi32, #tpu.memory_space<vmem>>) semaphore(%arg12 : memref<!tpu.dma_semaphore, #tpu.memory_space<semaphore_mem>>)
    %dma_wait3A_56 = arith.constant 2 : i32
    %dma_wait3A_57 = arith.constant 0 : i32
    %dma_wait3A_58 = tpu.memref_slice %arg8[%dma_wait3A_56, %dma_wait3A_57] : memref<4x128xi32, #tpu.memory_space<vmem>> -> memref<1x128xi32, #tpu.memory_space<vmem>>
    %dma_wait3A_59 = tpu.memref_squeeze %dma_wait3A_58 : memref<1x128xi32, #tpu.memory_space<vmem>> -> memref<128xi32, #tpu.memory_space<vmem>>
    %dma_wait3A_60 = arith.constant 0 : i32
    %dma_wait3A_61 = arith.constant 0 : i32
    %dma_wait3A_62 = tpu.memref_slice %arg4[%dma_wait3A_60, %dma_wait3A_61] : memref<51200x128xf32, #tpu.memory_space<hbm>> -> memref<51200x128xf32, #tpu.memory_space<hbm>>
    tpu.wait_indirect_dma semaphore(%arg12 : memref<!tpu.dma_semaphore, #tpu.memory_space<semaphore_mem>>) src(%dma_wait3A_62 : memref<51200x128xf32, #tpu.memory_space<hbm>>) dst(%arg10 : memref<128x128xf32, #tpu.memory_space<vmem>>)
    %add3A_63 = arith.constant 256 : i32
    %add3A_64 = arith.addi %mul3A_2, %add3A_63 : i32
    %dma_start3A_65 = arith.constant 0 : i32
    %dma_start3A_66 = tpu.memref_slice %arg6[%add3A_64, %dma_start3A_65] : memref<16384x128xf32, #tpu.memory_space<hbm>> -> memref<128x128xf32, #tpu.memory_space<hbm>>
    %dma_start3A_67 = arith.constant 0 : i32
    %dma_start3A_68 = tpu.memref_slice %arg6[%add3A_64, %dma_start3A_67] : memref<16384x128xf32, #tpu.memory_space<hbm>> -> memref<128x128xf32, #tpu.memory_space<hbm>>
    tpu.enqueue_dma source(%arg10 : memref<128x128xf32, #tpu.memory_space<vmem>>) target(%dma_start3A_68 : memref<128x128xf32, #tpu.memory_space<hbm>>) target_semaphore(%arg14 : memref<!tpu.dma_semaphore, #tpu.memory_space<semaphore_mem>>)
    %dma_wait3A_69 = arith.constant 0 : i32
    %dma_wait3A_70 = tpu.memref_slice %arg6[%add3A_40, %dma_wait3A_69] : memref<16384x128xf32, #tpu.memory_space<hbm>> -> memref<128x128xf32, #tpu.memory_space<hbm>>
    %dma_wait3A_71 = arith.constant 0 : i32
    %dma_wait3A_72 = tpu.memref_slice %arg6[%add3A_40, %dma_wait3A_71] : memref<16384x128xf32, #tpu.memory_space<hbm>> -> memref<128x128xf32, #tpu.memory_space<hbm>>
    tpu.wait_dma2 semaphore(%arg15 : memref<!tpu.dma_semaphore, #tpu.memory_space<semaphore_mem>>) src(%arg11 : memref<128x128xf32, #tpu.memory_space<vmem>>) dst(%dma_wait3A_72 : memref<128x128xf32, #tpu.memory_space<hbm>>)
    %dma_start3A_73 = arith.constant 3 : i32
    %dma_start3A_74 = arith.constant 0 : i32
    %dma_start3A_75 = tpu.memref_slice %arg8[%dma_start3A_73, %dma_start3A_74] : memref<4x128xi32, #tpu.memory_space<vmem>> -> memref<1x128xi32, #tpu.memory_space<vmem>>
    %dma_start3A_76 = tpu.memref_squeeze %dma_start3A_75 : memref<1x128xi32, #tpu.memory_space<vmem>> -> memref<128xi32, #tpu.memory_space<vmem>>
    %dma_start3A_77 = arith.constant 0 : i32
    %dma_start3A_78 = arith.constant 0 : i32
    %dma_start3A_79 = tpu.memref_slice %arg4[%dma_start3A_77, %dma_start3A_78] : memref<51200x128xf32, #tpu.memory_space<hbm>> -> memref<51200x128xf32, #tpu.memory_space<hbm>>
    tpu.enqueue_indirect_dma source(%dma_start3A_79 : memref<51200x128xf32, #tpu.memory_space<hbm>>) target(%arg11 : memref<128x128xf32, #tpu.memory_space<vmem>>) offsets(%dma_start3A_76 : memref<128xi32, #tpu.memory_space<vmem>>) semaphore(%arg13 : memref<!tpu.dma_semaphore, #tpu.memory_space<semaphore_mem>>)
    %dma_wait3A_80 = arith.constant 3 : i32
    %dma_wait3A_81 = arith.constant 0 : i32
    %dma_wait3A_82 = tpu.memref_slice %arg8[%dma_wait3A_80, %dma_wait3A_81] : memref<4x128xi32, #tpu.memory_space<vmem>> -> memref<1x128xi32, #tpu.memory_space<vmem>>
    %dma_wait3A_83 = tpu.memref_squeeze %dma_wait3A_82 : memref<1x128xi32, #tpu.memory_space<vmem>> -> memref<128xi32, #tpu.memory_space<vmem>>
    %dma_wait3A_84 = arith.constant 0 : i32
    %dma_wait3A_85 = arith.constant 0 : i32
    %dma_wait3A_86 = tpu.memref_slice %arg4[%dma_wait3A_84, %dma_wait3A_85] : memref<51200x128xf32, #tpu.memory_space<hbm>> -> memref<51200x128xf32, #tpu.memory_space<hbm>>
    tpu.wait_indirect_dma semaphore(%arg13 : memref<!tpu.dma_semaphore, #tpu.memory_space<semaphore_mem>>) src(%dma_wait3A_86 : memref<51200x128xf32, #tpu.memory_space<hbm>>) dst(%arg11 : memref<128x128xf32, #tpu.memory_space<vmem>>)
    %add3A_87 = arith.constant 384 : i32
    %add3A_88 = arith.addi %mul3A_2, %add3A_87 : i32
    %dma_start3A_89 = arith.constant 0 : i32
    %dma_start3A_90 = tpu.memref_slice %arg6[%add3A_88, %dma_start3A_89] : memref<16384x128xf32, #tpu.memory_space<hbm>> -> memref<128x128xf32, #tpu.memory_space<hbm>>
    %dma_start3A_91 = arith.constant 0 : i32
    %dma_start3A_92 = tpu.memref_slice %arg6[%add3A_88, %dma_start3A_91] : memref<16384x128xf32, #tpu.memory_space<hbm>> -> memref<128x128xf32, #tpu.memory_space<hbm>>
    tpu.enqueue_dma source(%arg11 : memref<128x128xf32, #tpu.memory_space<vmem>>) target(%dma_start3A_92 : memref<128x128xf32, #tpu.memory_space<hbm>>) target_semaphore(%arg15 : memref<!tpu.dma_semaphore, #tpu.memory_space<semaphore_mem>>)
    %dma_wait3A_93 = arith.constant 0 : i32
    %dma_wait3A_94 = tpu.memref_slice %arg6[%add3A_64, %dma_wait3A_93] : memref<16384x128xf32, #tpu.memory_space<hbm>> -> memref<128x128xf32, #tpu.memory_space<hbm>>
    %dma_wait3A_95 = arith.constant 0 : i32
    %dma_wait3A_96 = tpu.memref_slice %arg6[%add3A_64, %dma_wait3A_95] : memref<16384x128xf32, #tpu.memory_space<hbm>> -> memref<128x128xf32, #tpu.memory_space<hbm>>
    tpu.wait_dma2 semaphore(%arg14 : memref<!tpu.dma_semaphore, #tpu.memory_space<semaphore_mem>>) src(%arg10 : memref<128x128xf32, #tpu.memory_space<vmem>>) dst(%dma_wait3A_96 : memref<128x128xf32, #tpu.memory_space<hbm>>)
    %dma_start3A_97 = arith.constant 0 : i32
    %dma_start3A_98 = arith.constant 0 : i32
    %dma_start3A_99 = tpu.memref_slice %arg9[%dma_start3A_97, %dma_start3A_98] : memref<4x128xi32, #tpu.memory_space<vmem>> -> memref<1x128xi32, #tpu.memory_space<vmem>>
    %dma_start3A_100 = tpu.memref_squeeze %dma_start3A_99 : memref<1x128xi32, #tpu.memory_space<vmem>> -> memref<128xi32, #tpu.memory_space<vmem>>
    %dma_start3A_101 = arith.constant 0 : i32
    %dma_start3A_102 = arith.constant 0 : i32
    %dma_start3A_103 = tpu.memref_slice %arg5[%dma_start3A_101, %dma_start3A_102] : memref<512x128xf32, #tpu.memory_space<hbm>> -> memref<512x128xf32, #tpu.memory_space<hbm>>
    tpu.enqueue_indirect_dma source(%dma_start3A_103 : memref<512x128xf32, #tpu.memory_space<hbm>>) target(%arg10 : memref<128x128xf32, #tpu.memory_space<vmem>>) offsets(%dma_start3A_100 : memref<128xi32, #tpu.memory_space<vmem>>) semaphore(%arg12 : memref<!tpu.dma_semaphore, #tpu.memory_space<semaphore_mem>>)
    %dma_wait3A_104 = arith.constant 0 : i32
    %dma_wait3A_105 = arith.constant 0 : i32
    %dma_wait3A_106 = tpu.memref_slice %arg9[%dma_wait3A_104, %dma_wait3A_105] : memref<4x128xi32, #tpu.memory_space<vmem>> -> memref<1x128xi32, #tpu.memory_space<vmem>>
    %dma_wait3A_107 = tpu.memref_squeeze %dma_wait3A_106 : memref<1x128xi32, #tpu.memory_space<vmem>> -> memref<128xi32, #tpu.memory_space<vmem>>
    %dma_wait3A_108 = arith.constant 0 : i32
    %dma_wait3A_109 = arith.constant 0 : i32
    %dma_wait3A_110 = tpu.memref_slice %arg5[%dma_wait3A_108, %dma_wait3A_109] : memref<512x128xf32, #tpu.memory_space<hbm>> -> memref<512x128xf32, #tpu.memory_space<hbm>>
    tpu.wait_indirect_dma semaphore(%arg12 : memref<!tpu.dma_semaphore, #tpu.memory_space<semaphore_mem>>) src(%dma_wait3A_110 : memref<512x128xf32, #tpu.memory_space<hbm>>) dst(%arg10 : memref<128x128xf32, #tpu.memory_space<vmem>>)
    %add3A_111 = arith.constant 0 : i32
    %add3A_112 = arith.addi %mul3A_2, %add3A_111 : i32
    %dma_start3A_113 = arith.constant 0 : i32
    %dma_start3A_114 = tpu.memref_slice %arg7[%add3A_112, %dma_start3A_113] : memref<16384x128xf32, #tpu.memory_space<hbm>> -> memref<128x128xf32, #tpu.memory_space<hbm>>
    %dma_start3A_115 = arith.constant 0 : i32
    %dma_start3A_116 = tpu.memref_slice %arg7[%add3A_112, %dma_start3A_115] : memref<16384x128xf32, #tpu.memory_space<hbm>> -> memref<128x128xf32, #tpu.memory_space<hbm>>
    tpu.enqueue_dma source(%arg10 : memref<128x128xf32, #tpu.memory_space<vmem>>) target(%dma_start3A_116 : memref<128x128xf32, #tpu.memory_space<hbm>>) target_semaphore(%arg14 : memref<!tpu.dma_semaphore, #tpu.memory_space<semaphore_mem>>)
    %dma_wait3A_117 = arith.constant 0 : i32
    %dma_wait3A_118 = tpu.memref_slice %arg6[%add3A_88, %dma_wait3A_117] : memref<16384x128xf32, #tpu.memory_space<hbm>> -> memref<128x128xf32, #tpu.memory_space<hbm>>
    %dma_wait3A_119 = arith.constant 0 : i32
    %dma_wait3A_120 = tpu.memref_slice %arg6[%add3A_88, %dma_wait3A_119] : memref<16384x128xf32, #tpu.memory_space<hbm>> -> memref<128x128xf32, #tpu.memory_space<hbm>>
    tpu.wait_dma2 semaphore(%arg15 : memref<!tpu.dma_semaphore, #tpu.memory_space<semaphore_mem>>) src(%arg11 : memref<128x128xf32, #tpu.memory_space<vmem>>) dst(%dma_wait3A_120 : memref<128x128xf32, #tpu.memory_space<hbm>>)
    %dma_start3A_121 = arith.constant 1 : i32
    %dma_start3A_122 = arith.constant 0 : i32
    %dma_start3A_123 = tpu.memref_slice %arg9[%dma_start3A_121, %dma_start3A_122] : memref<4x128xi32, #tpu.memory_space<vmem>> -> memref<1x128xi32, #tpu.memory_space<vmem>>
    %dma_start3A_124 = tpu.memref_squeeze %dma_start3A_123 : memref<1x128xi32, #tpu.memory_space<vmem>> -> memref<128xi32, #tpu.memory_space<vmem>>
    %dma_start3A_125 = arith.constant 0 : i32
    %dma_start3A_126 = arith.constant 0 : i32
    %dma_start3A_127 = tpu.memref_slice %arg5[%dma_start3A_125, %dma_start3A_126] : memref<512x128xf32, #tpu.memory_space<hbm>> -> memref<512x128xf32, #tpu.memory_space<hbm>>
    tpu.enqueue_indirect_dma source(%dma_start3A_127 : memref<512x128xf32, #tpu.memory_space<hbm>>) target(%arg11 : memref<128x128xf32, #tpu.memory_space<vmem>>) offsets(%dma_start3A_124 : memref<128xi32, #tpu.memory_space<vmem>>) semaphore(%arg13 : memref<!tpu.dma_semaphore, #tpu.memory_space<semaphore_mem>>)
    %dma_wait3A_128 = arith.constant 1 : i32
    %dma_wait3A_129 = arith.constant 0 : i32
    %dma_wait3A_130 = tpu.memref_slice %arg9[%dma_wait3A_128, %dma_wait3A_129] : memref<4x128xi32, #tpu.memory_space<vmem>> -> memref<1x128xi32, #tpu.memory_space<vmem>>
    %dma_wait3A_131 = tpu.memref_squeeze %dma_wait3A_130 : memref<1x128xi32, #tpu.memory_space<vmem>> -> memref<128xi32, #tpu.memory_space<vmem>>
    %dma_wait3A_132 = arith.constant 0 : i32
    %dma_wait3A_133 = arith.constant 0 : i32
    %dma_wait3A_134 = tpu.memref_slice %arg5[%dma_wait3A_132, %dma_wait3A_133] : memref<512x128xf32, #tpu.memory_space<hbm>> -> memref<512x128xf32, #tpu.memory_space<hbm>>
    tpu.wait_indirect_dma semaphore(%arg13 : memref<!tpu.dma_semaphore, #tpu.memory_space<semaphore_mem>>) src(%dma_wait3A_134 : memref<512x128xf32, #tpu.memory_space<hbm>>) dst(%arg11 : memref<128x128xf32, #tpu.memory_space<vmem>>)
    %add3A_135 = arith.constant 128 : i32
    %add3A_136 = arith.addi %mul3A_2, %add3A_135 : i32
    %dma_start3A_137 = arith.constant 0 : i32
    %dma_start3A_138 = tpu.memref_slice %arg7[%add3A_136, %dma_start3A_137] : memref<16384x128xf32, #tpu.memory_space<hbm>> -> memref<128x128xf32, #tpu.memory_space<hbm>>
    %dma_start3A_139 = arith.constant 0 : i32
    %dma_start3A_140 = tpu.memref_slice %arg7[%add3A_136, %dma_start3A_139] : memref<16384x128xf32, #tpu.memory_space<hbm>> -> memref<128x128xf32, #tpu.memory_space<hbm>>
    tpu.enqueue_dma source(%arg11 : memref<128x128xf32, #tpu.memory_space<vmem>>) target(%dma_start3A_140 : memref<128x128xf32, #tpu.memory_space<hbm>>) target_semaphore(%arg15 : memref<!tpu.dma_semaphore, #tpu.memory_space<semaphore_mem>>)
    %dma_wait3A_141 = arith.constant 0 : i32
    %dma_wait3A_142 = tpu.memref_slice %arg7[%add3A_112, %dma_wait3A_141] : memref<16384x128xf32, #tpu.memory_space<hbm>> -> memref<128x128xf32, #tpu.memory_space<hbm>>
    %dma_wait3A_143 = arith.constant 0 : i32
    %dma_wait3A_144 = tpu.memref_slice %arg7[%add3A_112, %dma_wait3A_143] : memref<16384x128xf32, #tpu.memory_space<hbm>> -> memref<128x128xf32, #tpu.memory_space<hbm>>
    tpu.wait_dma2 semaphore(%arg14 : memref<!tpu.dma_semaphore, #tpu.memory_space<semaphore_mem>>) src(%arg10 : memref<128x128xf32, #tpu.memory_space<vmem>>) dst(%dma_wait3A_144 : memref<128x128xf32, #tpu.memory_space<hbm>>)
    %dma_start3A_145 = arith.constant 2 : i32
    %dma_start3A_146 = arith.constant 0 : i32
    %dma_start3A_147 = tpu.memref_slice %arg9[%dma_start3A_145, %dma_start3A_146] : memref<4x128xi32, #tpu.memory_space<vmem>> -> memref<1x128xi32, #tpu.memory_space<vmem>>
    %dma_start3A_148 = tpu.memref_squeeze %dma_start3A_147 : memref<1x128xi32, #tpu.memory_space<vmem>> -> memref<128xi32, #tpu.memory_space<vmem>>
    %dma_start3A_149 = arith.constant 0 : i32
    %dma_start3A_150 = arith.constant 0 : i32
    %dma_start3A_151 = tpu.memref_slice %arg5[%dma_start3A_149, %dma_start3A_150] : memref<512x128xf32, #tpu.memory_space<hbm>> -> memref<512x128xf32, #tpu.memory_space<hbm>>
    tpu.enqueue_indirect_dma source(%dma_start3A_151 : memref<512x128xf32, #tpu.memory_space<hbm>>) target(%arg10 : memref<128x128xf32, #tpu.memory_space<vmem>>) offsets(%dma_start3A_148 : memref<128xi32, #tpu.memory_space<vmem>>) semaphore(%arg12 : memref<!tpu.dma_semaphore, #tpu.memory_space<semaphore_mem>>)
    %dma_wait3A_152 = arith.constant 2 : i32
    %dma_wait3A_153 = arith.constant 0 : i32
    %dma_wait3A_154 = tpu.memref_slice %arg9[%dma_wait3A_152, %dma_wait3A_153] : memref<4x128xi32, #tpu.memory_space<vmem>> -> memref<1x128xi32, #tpu.memory_space<vmem>>
    %dma_wait3A_155 = tpu.memref_squeeze %dma_wait3A_154 : memref<1x128xi32, #tpu.memory_space<vmem>> -> memref<128xi32, #tpu.memory_space<vmem>>
    %dma_wait3A_156 = arith.constant 0 : i32
    %dma_wait3A_157 = arith.constant 0 : i32
    %dma_wait3A_158 = tpu.memref_slice %arg5[%dma_wait3A_156, %dma_wait3A_157] : memref<512x128xf32, #tpu.memory_space<hbm>> -> memref<512x128xf32, #tpu.memory_space<hbm>>
    tpu.wait_indirect_dma semaphore(%arg12 : memref<!tpu.dma_semaphore, #tpu.memory_space<semaphore_mem>>) src(%dma_wait3A_158 : memref<512x128xf32, #tpu.memory_space<hbm>>) dst(%arg10 : memref<128x128xf32, #tpu.memory_space<vmem>>)
    %add3A_159 = arith.constant 256 : i32
    %add3A_160 = arith.addi %mul3A_2, %add3A_159 : i32
    %dma_start3A_161 = arith.constant 0 : i32
    %dma_start3A_162 = tpu.memref_slice %arg7[%add3A_160, %dma_start3A_161] : memref<16384x128xf32, #tpu.memory_space<hbm>> -> memref<128x128xf32, #tpu.memory_space<hbm>>
    %dma_start3A_163 = arith.constant 0 : i32
    %dma_start3A_164 = tpu.memref_slice %arg7[%add3A_160, %dma_start3A_163] : memref<16384x128xf32, #tpu.memory_space<hbm>> -> memref<128x128xf32, #tpu.memory_space<hbm>>
    tpu.enqueue_dma source(%arg10 : memref<128x128xf32, #tpu.memory_space<vmem>>) target(%dma_start3A_164 : memref<128x128xf32, #tpu.memory_space<hbm>>) target_semaphore(%arg14 : memref<!tpu.dma_semaphore, #tpu.memory_space<semaphore_mem>>)
    %dma_wait3A_165 = arith.constant 0 : i32
    %dma_wait3A_166 = tpu.memref_slice %arg7[%add3A_136, %dma_wait3A_165] : memref<16384x128xf32, #tpu.memory_space<hbm>> -> memref<128x128xf32, #tpu.memory_space<hbm>>
    %dma_wait3A_167 = arith.constant 0 : i32
    %dma_wait3A_168 = tpu.memref_slice %arg7[%add3A_136, %dma_wait3A_167] : memref<16384x128xf32, #tpu.memory_space<hbm>> -> memref<128x128xf32, #tpu.memory_space<hbm>>
    tpu.wait_dma2 semaphore(%arg15 : memref<!tpu.dma_semaphore, #tpu.memory_space<semaphore_mem>>) src(%arg11 : memref<128x128xf32, #tpu.memory_space<vmem>>) dst(%dma_wait3A_168 : memref<128x128xf32, #tpu.memory_space<hbm>>)
    %dma_start3A_169 = arith.constant 3 : i32
    %dma_start3A_170 = arith.constant 0 : i32
    %dma_start3A_171 = tpu.memref_slice %arg9[%dma_start3A_169, %dma_start3A_170] : memref<4x128xi32, #tpu.memory_space<vmem>> -> memref<1x128xi32, #tpu.memory_space<vmem>>
    %dma_start3A_172 = tpu.memref_squeeze %dma_start3A_171 : memref<1x128xi32, #tpu.memory_space<vmem>> -> memref<128xi32, #tpu.memory_space<vmem>>
    %dma_start3A_173 = arith.constant 0 : i32
    %dma_start3A_174 = arith.constant 0 : i32
    %dma_start3A_175 = tpu.memref_slice %arg5[%dma_start3A_173, %dma_start3A_174] : memref<512x128xf32, #tpu.memory_space<hbm>> -> memref<512x128xf32, #tpu.memory_space<hbm>>
    tpu.enqueue_indirect_dma source(%dma_start3A_175 : memref<512x128xf32, #tpu.memory_space<hbm>>) target(%arg11 : memref<128x128xf32, #tpu.memory_space<vmem>>) offsets(%dma_start3A_172 : memref<128xi32, #tpu.memory_space<vmem>>) semaphore(%arg13 : memref<!tpu.dma_semaphore, #tpu.memory_space<semaphore_mem>>)
    %dma_wait3A_176 = arith.constant 3 : i32
    %dma_wait3A_177 = arith.constant 0 : i32
    %dma_wait3A_178 = tpu.memref_slice %arg9[%dma_wait3A_176, %dma_wait3A_177] : memref<4x128xi32, #tpu.memory_space<vmem>> -> memref<1x128xi32, #tpu.memory_space<vmem>>
    %dma_wait3A_179 = tpu.memref_squeeze %dma_wait3A_178 : memref<1x128xi32, #tpu.memory_space<vmem>> -> memref<128xi32, #tpu.memory_space<vmem>>
    %dma_wait3A_180 = arith.constant 0 : i32
    %dma_wait3A_181 = arith.constant 0 : i32
    %dma_wait3A_182 = tpu.memref_slice %arg5[%dma_wait3A_180, %dma_wait3A_181] : memref<512x128xf32, #tpu.memory_space<hbm>> -> memref<512x128xf32, #tpu.memory_space<hbm>>
    tpu.wait_indirect_dma semaphore(%arg13 : memref<!tpu.dma_semaphore, #tpu.memory_space<semaphore_mem>>) src(%dma_wait3A_182 : memref<512x128xf32, #tpu.memory_space<hbm>>) dst(%arg11 : memref<128x128xf32, #tpu.memory_space<vmem>>)
    %add3A_183 = arith.constant 384 : i32
    %add3A_184 = arith.addi %mul3A_2, %add3A_183 : i32
    %dma_start3A_185 = arith.constant 0 : i32
    %dma_start3A_186 = tpu.memref_slice %arg7[%add3A_184, %dma_start3A_185] : memref<16384x128xf32, #tpu.memory_space<hbm>> -> memref<128x128xf32, #tpu.memory_space<hbm>>
    %dma_start3A_187 = arith.constant 0 : i32
    %dma_start3A_188 = tpu.memref_slice %arg7[%add3A_184, %dma_start3A_187] : memref<16384x128xf32, #tpu.memory_space<hbm>> -> memref<128x128xf32, #tpu.memory_space<hbm>>
    tpu.enqueue_dma source(%arg11 : memref<128x128xf32, #tpu.memory_space<vmem>>) target(%dma_start3A_188 : memref<128x128xf32, #tpu.memory_space<hbm>>) target_semaphore(%arg15 : memref<!tpu.dma_semaphore, #tpu.memory_space<semaphore_mem>>)
    %dma_wait3A_189 = arith.constant 0 : i32
    %dma_wait3A_190 = tpu.memref_slice %arg7[%add3A_160, %dma_wait3A_189] : memref<16384x128xf32, #tpu.memory_space<hbm>> -> memref<128x128xf32, #tpu.memory_space<hbm>>
    %dma_wait3A_191 = arith.constant 0 : i32
    %dma_wait3A_192 = tpu.memref_slice %arg7[%add3A_160, %dma_wait3A_191] : memref<16384x128xf32, #tpu.memory_space<hbm>> -> memref<128x128xf32, #tpu.memory_space<hbm>>
    tpu.wait_dma2 semaphore(%arg14 : memref<!tpu.dma_semaphore, #tpu.memory_space<semaphore_mem>>) src(%arg10 : memref<128x128xf32, #tpu.memory_space<vmem>>) dst(%dma_wait3A_192 : memref<128x128xf32, #tpu.memory_space<hbm>>)
    %dma_wait3A_193 = arith.constant 0 : i32
    %dma_wait3A_194 = tpu.memref_slice %arg7[%add3A_184, %dma_wait3A_193] : memref<16384x128xf32, #tpu.memory_space<hbm>> -> memref<128x128xf32, #tpu.memory_space<hbm>>
    %dma_wait3A_195 = arith.constant 0 : i32
    %dma_wait3A_196 = tpu.memref_slice %arg7[%add3A_184, %dma_wait3A_195] : memref<16384x128xf32, #tpu.memory_space<hbm>> -> memref<128x128xf32, #tpu.memory_space<hbm>>
    tpu.wait_dma2 semaphore(%arg15 : memref<!tpu.dma_semaphore, #tpu.memory_space<semaphore_mem>>) src(%arg11 : memref<128x128xf32, #tpu.memory_space<vmem>>) dst(%dma_wait3A_196 : memref<128x128xf32, #tpu.memory_space<hbm>>)
    return
  }
}

#map = affine_map<(d0, d1) -> (0, 0)>
module attributes {stable_mosaic.version = 14 : i64} {
  func.func @_sc_gather_u_body(%arg0: i32, %arg1: i32, %arg2: memref<128x128xi32, #tpu.memory_space<hbm>>, %arg3: memref<500480x128xf32, #tpu.memory_space<hbm>>, %arg4: memref<16384x128xf32, #tpu.memory_space<hbm>>, %arg5: memref<4x128xi32, #tpu.memory_space<vmem>>, %arg6: memref<128x128xf32, #tpu.memory_space<vmem>>, %arg7: memref<128x128xf32, #tpu.memory_space<vmem>>, %arg8: memref<!tpu.dma_semaphore, #tpu.memory_space<semaphore_mem>>, %arg9: memref<!tpu.dma_semaphore, #tpu.memory_space<semaphore_mem>>, %arg10: memref<!tpu.dma_semaphore, #tpu.memory_space<semaphore_mem>>, %arg11: memref<!tpu.dma_semaphore, #tpu.memory_space<semaphore_mem>>) attributes {dimension_semantics = [#tpu.dimension_semantics<core_parallel>, #tpu.dimension_semantics<subcore_parallel>], iteration_bounds = array<i64: 2, 16>, scalar_prefetch = 0 : i64, scratch_operands = 7 : i64, tpu.core_type = #tpu.core_type<sc_vector_subcore>, window_params = [{transform_indices = #map}, {transform_indices = #map}, {transform_indices = #map}]} {
    %mul3A = arith.constant 2 : i32
    %mul3A_0 = arith.muli %arg1, %mul3A : i32
    %add3A = arith.addi %mul3A_0, %arg0 : i32
    %mul3A_1 = arith.constant 512 : i32
    %mul3A_2 = arith.muli %add3A, %mul3A_1 : i32
    %mul3A_3 = arith.constant 4 : i32
    %mul3A_4 = arith.muli %add3A, %mul3A_3 : i32
    "tpu.region"() ({
      %run_scoped3A = tpu.sem_alloc : memref<!tpu.dma_semaphore, #tpu.memory_space<semaphore_mem>>
      %dma_start3A_99 = arith.constant 0 : i32
      %dma_start3A_100 = tpu.memref_slice %arg2[%mul3A_4, %dma_start3A_99] : memref<128x128xi32, #tpu.memory_space<hbm>> -> memref<4x128xi32, #tpu.memory_space<hbm>>
      %dma_start3A_101 = arith.constant 0 : i32
      %dma_start3A_102 = tpu.memref_slice %arg2[%mul3A_4, %dma_start3A_101] : memref<128x128xi32, #tpu.memory_space<hbm>> -> memref<4x128xi32, #tpu.memory_space<hbm>>
      tpu.enqueue_dma source(%dma_start3A_102 : memref<4x128xi32, #tpu.memory_space<hbm>>) target(%arg5 : memref<4x128xi32, #tpu.memory_space<vmem>>) target_semaphore(%run_scoped3A : memref<!tpu.dma_semaphore, #tpu.memory_space<semaphore_mem>>)
      %dma_wait3A_103 = arith.constant 0 : i32
      %dma_wait3A_104 = tpu.memref_slice %arg2[%mul3A_4, %dma_wait3A_103] : memref<128x128xi32, #tpu.memory_space<hbm>> -> memref<4x128xi32, #tpu.memory_space<hbm>>
      %dma_wait3A_105 = arith.constant 0 : i32
      %dma_wait3A_106 = tpu.memref_slice %arg2[%mul3A_4, %dma_wait3A_105] : memref<128x128xi32, #tpu.memory_space<hbm>> -> memref<4x128xi32, #tpu.memory_space<hbm>>
      tpu.wait_dma2 semaphore(%run_scoped3A : memref<!tpu.dma_semaphore, #tpu.memory_space<semaphore_mem>>) src(%dma_wait3A_106 : memref<4x128xi32, #tpu.memory_space<hbm>>) dst(%arg5 : memref<4x128xi32, #tpu.memory_space<vmem>>)
      tpu.yield
    }) : () -> ()
    %dma_start3A = arith.constant 0 : i32
    %dma_start3A_5 = arith.constant 0 : i32
    %dma_start3A_6 = tpu.memref_slice %arg5[%dma_start3A, %dma_start3A_5] : memref<4x128xi32, #tpu.memory_space<vmem>> -> memref<1x128xi32, #tpu.memory_space<vmem>>
    %dma_start3A_7 = tpu.memref_squeeze %dma_start3A_6 : memref<1x128xi32, #tpu.memory_space<vmem>> -> memref<128xi32, #tpu.memory_space<vmem>>
    %dma_start3A_8 = arith.constant 0 : i32
    %dma_start3A_9 = arith.constant 0 : i32
    %dma_start3A_10 = tpu.memref_slice %arg3[%dma_start3A_8, %dma_start3A_9] : memref<500480x128xf32, #tpu.memory_space<hbm>> -> memref<500480x128xf32, #tpu.memory_space<hbm>>
    tpu.enqueue_indirect_dma source(%dma_start3A_10 : memref<500480x128xf32, #tpu.memory_space<hbm>>) target(%arg6 : memref<128x128xf32, #tpu.memory_space<vmem>>) offsets(%dma_start3A_7 : memref<128xi32, #tpu.memory_space<vmem>>) semaphore(%arg8 : memref<!tpu.dma_semaphore, #tpu.memory_space<semaphore_mem>>)
    %dma_wait3A = arith.constant 0 : i32
    %dma_wait3A_11 = arith.constant 0 : i32
    %dma_wait3A_12 = tpu.memref_slice %arg5[%dma_wait3A, %dma_wait3A_11] : memref<4x128xi32, #tpu.memory_space<vmem>> -> memref<1x128xi32, #tpu.memory_space<vmem>>
    %dma_wait3A_13 = tpu.memref_squeeze %dma_wait3A_12 : memref<1x128xi32, #tpu.memory_space<vmem>> -> memref<128xi32, #tpu.memory_space<vmem>>
    %dma_wait3A_14 = arith.constant 0 : i32
    %dma_wait3A_15 = arith.constant 0 : i32
    %dma_wait3A_16 = tpu.memref_slice %arg3[%dma_wait3A_14, %dma_wait3A_15] : memref<500480x128xf32, #tpu.memory_space<hbm>> -> memref<500480x128xf32, #tpu.memory_space<hbm>>
    tpu.wait_indirect_dma semaphore(%arg8 : memref<!tpu.dma_semaphore, #tpu.memory_space<semaphore_mem>>) src(%dma_wait3A_16 : memref<500480x128xf32, #tpu.memory_space<hbm>>) dst(%arg6 : memref<128x128xf32, #tpu.memory_space<vmem>>)
    %add3A_17 = arith.constant 0 : i32
    %add3A_18 = arith.addi %mul3A_2, %add3A_17 : i32
    %dma_start3A_19 = arith.constant 0 : i32
    %dma_start3A_20 = tpu.memref_slice %arg4[%add3A_18, %dma_start3A_19] : memref<16384x128xf32, #tpu.memory_space<hbm>> -> memref<128x128xf32, #tpu.memory_space<hbm>>
    %dma_start3A_21 = arith.constant 0 : i32
    %dma_start3A_22 = tpu.memref_slice %arg4[%add3A_18, %dma_start3A_21] : memref<16384x128xf32, #tpu.memory_space<hbm>> -> memref<128x128xf32, #tpu.memory_space<hbm>>
    tpu.enqueue_dma source(%arg6 : memref<128x128xf32, #tpu.memory_space<vmem>>) target(%dma_start3A_22 : memref<128x128xf32, #tpu.memory_space<hbm>>) target_semaphore(%arg10 : memref<!tpu.dma_semaphore, #tpu.memory_space<semaphore_mem>>)
    %dma_start3A_23 = arith.constant 1 : i32
    %dma_start3A_24 = arith.constant 0 : i32
    %dma_start3A_25 = tpu.memref_slice %arg5[%dma_start3A_23, %dma_start3A_24] : memref<4x128xi32, #tpu.memory_space<vmem>> -> memref<1x128xi32, #tpu.memory_space<vmem>>
    %dma_start3A_26 = tpu.memref_squeeze %dma_start3A_25 : memref<1x128xi32, #tpu.memory_space<vmem>> -> memref<128xi32, #tpu.memory_space<vmem>>
    %dma_start3A_27 = arith.constant 0 : i32
    %dma_start3A_28 = arith.constant 0 : i32
    %dma_start3A_29 = tpu.memref_slice %arg3[%dma_start3A_27, %dma_start3A_28] : memref<500480x128xf32, #tpu.memory_space<hbm>> -> memref<500480x128xf32, #tpu.memory_space<hbm>>
    tpu.enqueue_indirect_dma source(%dma_start3A_29 : memref<500480x128xf32, #tpu.memory_space<hbm>>) target(%arg7 : memref<128x128xf32, #tpu.memory_space<vmem>>) offsets(%dma_start3A_26 : memref<128xi32, #tpu.memory_space<vmem>>) semaphore(%arg9 : memref<!tpu.dma_semaphore, #tpu.memory_space<semaphore_mem>>)
    %dma_wait3A_30 = arith.constant 1 : i32
    %dma_wait3A_31 = arith.constant 0 : i32
    %dma_wait3A_32 = tpu.memref_slice %arg5[%dma_wait3A_30, %dma_wait3A_31] : memref<4x128xi32, #tpu.memory_space<vmem>> -> memref<1x128xi32, #tpu.memory_space<vmem>>
    %dma_wait3A_33 = tpu.memref_squeeze %dma_wait3A_32 : memref<1x128xi32, #tpu.memory_space<vmem>> -> memref<128xi32, #tpu.memory_space<vmem>>
    %dma_wait3A_34 = arith.constant 0 : i32
    %dma_wait3A_35 = arith.constant 0 : i32
    %dma_wait3A_36 = tpu.memref_slice %arg3[%dma_wait3A_34, %dma_wait3A_35] : memref<500480x128xf32, #tpu.memory_space<hbm>> -> memref<500480x128xf32, #tpu.memory_space<hbm>>
    tpu.wait_indirect_dma semaphore(%arg9 : memref<!tpu.dma_semaphore, #tpu.memory_space<semaphore_mem>>) src(%dma_wait3A_36 : memref<500480x128xf32, #tpu.memory_space<hbm>>) dst(%arg7 : memref<128x128xf32, #tpu.memory_space<vmem>>)
    %add3A_37 = arith.constant 128 : i32
    %add3A_38 = arith.addi %mul3A_2, %add3A_37 : i32
    %dma_start3A_39 = arith.constant 0 : i32
    %dma_start3A_40 = tpu.memref_slice %arg4[%add3A_38, %dma_start3A_39] : memref<16384x128xf32, #tpu.memory_space<hbm>> -> memref<128x128xf32, #tpu.memory_space<hbm>>
    %dma_start3A_41 = arith.constant 0 : i32
    %dma_start3A_42 = tpu.memref_slice %arg4[%add3A_38, %dma_start3A_41] : memref<16384x128xf32, #tpu.memory_space<hbm>> -> memref<128x128xf32, #tpu.memory_space<hbm>>
    tpu.enqueue_dma source(%arg7 : memref<128x128xf32, #tpu.memory_space<vmem>>) target(%dma_start3A_42 : memref<128x128xf32, #tpu.memory_space<hbm>>) target_semaphore(%arg11 : memref<!tpu.dma_semaphore, #tpu.memory_space<semaphore_mem>>)
    %dma_wait3A_43 = arith.constant 0 : i32
    %dma_wait3A_44 = tpu.memref_slice %arg4[%add3A_18, %dma_wait3A_43] : memref<16384x128xf32, #tpu.memory_space<hbm>> -> memref<128x128xf32, #tpu.memory_space<hbm>>
    %dma_wait3A_45 = arith.constant 0 : i32
    %dma_wait3A_46 = tpu.memref_slice %arg4[%add3A_18, %dma_wait3A_45] : memref<16384x128xf32, #tpu.memory_space<hbm>> -> memref<128x128xf32, #tpu.memory_space<hbm>>
    tpu.wait_dma2 semaphore(%arg10 : memref<!tpu.dma_semaphore, #tpu.memory_space<semaphore_mem>>) src(%arg6 : memref<128x128xf32, #tpu.memory_space<vmem>>) dst(%dma_wait3A_46 : memref<128x128xf32, #tpu.memory_space<hbm>>)
    %dma_start3A_47 = arith.constant 2 : i32
    %dma_start3A_48 = arith.constant 0 : i32
    %dma_start3A_49 = tpu.memref_slice %arg5[%dma_start3A_47, %dma_start3A_48] : memref<4x128xi32, #tpu.memory_space<vmem>> -> memref<1x128xi32, #tpu.memory_space<vmem>>
    %dma_start3A_50 = tpu.memref_squeeze %dma_start3A_49 : memref<1x128xi32, #tpu.memory_space<vmem>> -> memref<128xi32, #tpu.memory_space<vmem>>
    %dma_start3A_51 = arith.constant 0 : i32
    %dma_start3A_52 = arith.constant 0 : i32
    %dma_start3A_53 = tpu.memref_slice %arg3[%dma_start3A_51, %dma_start3A_52] : memref<500480x128xf32, #tpu.memory_space<hbm>> -> memref<500480x128xf32, #tpu.memory_space<hbm>>
    tpu.enqueue_indirect_dma source(%dma_start3A_53 : memref<500480x128xf32, #tpu.memory_space<hbm>>) target(%arg6 : memref<128x128xf32, #tpu.memory_space<vmem>>) offsets(%dma_start3A_50 : memref<128xi32, #tpu.memory_space<vmem>>) semaphore(%arg8 : memref<!tpu.dma_semaphore, #tpu.memory_space<semaphore_mem>>)
    %dma_wait3A_54 = arith.constant 2 : i32
    %dma_wait3A_55 = arith.constant 0 : i32
    %dma_wait3A_56 = tpu.memref_slice %arg5[%dma_wait3A_54, %dma_wait3A_55] : memref<4x128xi32, #tpu.memory_space<vmem>> -> memref<1x128xi32, #tpu.memory_space<vmem>>
    %dma_wait3A_57 = tpu.memref_squeeze %dma_wait3A_56 : memref<1x128xi32, #tpu.memory_space<vmem>> -> memref<128xi32, #tpu.memory_space<vmem>>
    %dma_wait3A_58 = arith.constant 0 : i32
    %dma_wait3A_59 = arith.constant 0 : i32
    %dma_wait3A_60 = tpu.memref_slice %arg3[%dma_wait3A_58, %dma_wait3A_59] : memref<500480x128xf32, #tpu.memory_space<hbm>> -> memref<500480x128xf32, #tpu.memory_space<hbm>>
    tpu.wait_indirect_dma semaphore(%arg8 : memref<!tpu.dma_semaphore, #tpu.memory_space<semaphore_mem>>) src(%dma_wait3A_60 : memref<500480x128xf32, #tpu.memory_space<hbm>>) dst(%arg6 : memref<128x128xf32, #tpu.memory_space<vmem>>)
    %add3A_61 = arith.constant 256 : i32
    %add3A_62 = arith.addi %mul3A_2, %add3A_61 : i32
    %dma_start3A_63 = arith.constant 0 : i32
    %dma_start3A_64 = tpu.memref_slice %arg4[%add3A_62, %dma_start3A_63] : memref<16384x128xf32, #tpu.memory_space<hbm>> -> memref<128x128xf32, #tpu.memory_space<hbm>>
    %dma_start3A_65 = arith.constant 0 : i32
    %dma_start3A_66 = tpu.memref_slice %arg4[%add3A_62, %dma_start3A_65] : memref<16384x128xf32, #tpu.memory_space<hbm>> -> memref<128x128xf32, #tpu.memory_space<hbm>>
    tpu.enqueue_dma source(%arg6 : memref<128x128xf32, #tpu.memory_space<vmem>>) target(%dma_start3A_66 : memref<128x128xf32, #tpu.memory_space<hbm>>) target_semaphore(%arg10 : memref<!tpu.dma_semaphore, #tpu.memory_space<semaphore_mem>>)
    %dma_wait3A_67 = arith.constant 0 : i32
    %dma_wait3A_68 = tpu.memref_slice %arg4[%add3A_38, %dma_wait3A_67] : memref<16384x128xf32, #tpu.memory_space<hbm>> -> memref<128x128xf32, #tpu.memory_space<hbm>>
    %dma_wait3A_69 = arith.constant 0 : i32
    %dma_wait3A_70 = tpu.memref_slice %arg4[%add3A_38, %dma_wait3A_69] : memref<16384x128xf32, #tpu.memory_space<hbm>> -> memref<128x128xf32, #tpu.memory_space<hbm>>
    tpu.wait_dma2 semaphore(%arg11 : memref<!tpu.dma_semaphore, #tpu.memory_space<semaphore_mem>>) src(%arg7 : memref<128x128xf32, #tpu.memory_space<vmem>>) dst(%dma_wait3A_70 : memref<128x128xf32, #tpu.memory_space<hbm>>)
    %dma_start3A_71 = arith.constant 3 : i32
    %dma_start3A_72 = arith.constant 0 : i32
    %dma_start3A_73 = tpu.memref_slice %arg5[%dma_start3A_71, %dma_start3A_72] : memref<4x128xi32, #tpu.memory_space<vmem>> -> memref<1x128xi32, #tpu.memory_space<vmem>>
    %dma_start3A_74 = tpu.memref_squeeze %dma_start3A_73 : memref<1x128xi32, #tpu.memory_space<vmem>> -> memref<128xi32, #tpu.memory_space<vmem>>
    %dma_start3A_75 = arith.constant 0 : i32
    %dma_start3A_76 = arith.constant 0 : i32
    %dma_start3A_77 = tpu.memref_slice %arg3[%dma_start3A_75, %dma_start3A_76] : memref<500480x128xf32, #tpu.memory_space<hbm>> -> memref<500480x128xf32, #tpu.memory_space<hbm>>
    tpu.enqueue_indirect_dma source(%dma_start3A_77 : memref<500480x128xf32, #tpu.memory_space<hbm>>) target(%arg7 : memref<128x128xf32, #tpu.memory_space<vmem>>) offsets(%dma_start3A_74 : memref<128xi32, #tpu.memory_space<vmem>>) semaphore(%arg9 : memref<!tpu.dma_semaphore, #tpu.memory_space<semaphore_mem>>)
    %dma_wait3A_78 = arith.constant 3 : i32
    %dma_wait3A_79 = arith.constant 0 : i32
    %dma_wait3A_80 = tpu.memref_slice %arg5[%dma_wait3A_78, %dma_wait3A_79] : memref<4x128xi32, #tpu.memory_space<vmem>> -> memref<1x128xi32, #tpu.memory_space<vmem>>
    %dma_wait3A_81 = tpu.memref_squeeze %dma_wait3A_80 : memref<1x128xi32, #tpu.memory_space<vmem>> -> memref<128xi32, #tpu.memory_space<vmem>>
    %dma_wait3A_82 = arith.constant 0 : i32
    %dma_wait3A_83 = arith.constant 0 : i32
    %dma_wait3A_84 = tpu.memref_slice %arg3[%dma_wait3A_82, %dma_wait3A_83] : memref<500480x128xf32, #tpu.memory_space<hbm>> -> memref<500480x128xf32, #tpu.memory_space<hbm>>
    tpu.wait_indirect_dma semaphore(%arg9 : memref<!tpu.dma_semaphore, #tpu.memory_space<semaphore_mem>>) src(%dma_wait3A_84 : memref<500480x128xf32, #tpu.memory_space<hbm>>) dst(%arg7 : memref<128x128xf32, #tpu.memory_space<vmem>>)
    %add3A_85 = arith.constant 384 : i32
    %add3A_86 = arith.addi %mul3A_2, %add3A_85 : i32
    %dma_start3A_87 = arith.constant 0 : i32
    %dma_start3A_88 = tpu.memref_slice %arg4[%add3A_86, %dma_start3A_87] : memref<16384x128xf32, #tpu.memory_space<hbm>> -> memref<128x128xf32, #tpu.memory_space<hbm>>
    %dma_start3A_89 = arith.constant 0 : i32
    %dma_start3A_90 = tpu.memref_slice %arg4[%add3A_86, %dma_start3A_89] : memref<16384x128xf32, #tpu.memory_space<hbm>> -> memref<128x128xf32, #tpu.memory_space<hbm>>
    tpu.enqueue_dma source(%arg7 : memref<128x128xf32, #tpu.memory_space<vmem>>) target(%dma_start3A_90 : memref<128x128xf32, #tpu.memory_space<hbm>>) target_semaphore(%arg11 : memref<!tpu.dma_semaphore, #tpu.memory_space<semaphore_mem>>)
    %dma_wait3A_91 = arith.constant 0 : i32
    %dma_wait3A_92 = tpu.memref_slice %arg4[%add3A_62, %dma_wait3A_91] : memref<16384x128xf32, #tpu.memory_space<hbm>> -> memref<128x128xf32, #tpu.memory_space<hbm>>
    %dma_wait3A_93 = arith.constant 0 : i32
    %dma_wait3A_94 = tpu.memref_slice %arg4[%add3A_62, %dma_wait3A_93] : memref<16384x128xf32, #tpu.memory_space<hbm>> -> memref<128x128xf32, #tpu.memory_space<hbm>>
    tpu.wait_dma2 semaphore(%arg10 : memref<!tpu.dma_semaphore, #tpu.memory_space<semaphore_mem>>) src(%arg6 : memref<128x128xf32, #tpu.memory_space<vmem>>) dst(%dma_wait3A_94 : memref<128x128xf32, #tpu.memory_space<hbm>>)
    %dma_wait3A_95 = arith.constant 0 : i32
    %dma_wait3A_96 = tpu.memref_slice %arg4[%add3A_86, %dma_wait3A_95] : memref<16384x128xf32, #tpu.memory_space<hbm>> -> memref<128x128xf32, #tpu.memory_space<hbm>>
    %dma_wait3A_97 = arith.constant 0 : i32
    %dma_wait3A_98 = tpu.memref_slice %arg4[%add3A_86, %dma_wait3A_97] : memref<16384x128xf32, #tpu.memory_space<hbm>> -> memref<128x128xf32, #tpu.memory_space<hbm>>
    tpu.wait_dma2 semaphore(%arg11 : memref<!tpu.dma_semaphore, #tpu.memory_space<semaphore_mem>>) src(%arg7 : memref<128x128xf32, #tpu.memory_space<vmem>>) dst(%dma_wait3A_98 : memref<128x128xf32, #tpu.memory_space<hbm>>)
    return
  }
}

module attributes {stable_mosaic.version = 14 : i64} {
  func.func @_pack_body(%arg0: i32, %arg1: memref<64x512xf32, #tpu.memory_space<vmem>>, %arg2: memref<64x512xf32, #tpu.memory_space<vmem>>, %arg3: memref<512x128xf32, #tpu.memory_space<vmem>>) attributes {dimension_semantics = [#tpu.dimension_semantics<arbitrary>], iteration_bounds = array<i64: 1>, scalar_prefetch = 0 : i64, scratch_operands = 0 : i64, tpu.core_type = #tpu.core_type<tc>, window_params = [{transform_indices = @transform_0, window_bounds = array<i64: 64, 512>}, {transform_indices = @transform_1, window_bounds = array<i64: 64, 512>}, {transform_indices = @transform_2, window_bounds = array<i64: 512, 128>}]} {
    %get3A = arith.constant 0 : index
    %get3A_0 = arith.constant 0 : index
    %get3A_1 = vector.load %arg1[%get3A, %get3A_0] : memref<64x512xf32, #tpu.memory_space<vmem>>, vector<64x512xf32>
    %transpose3A = tpu.transpose %get3A_1, [1, 0] : vector<64x512xf32> -> vector<512x64xf32>
    %get3A_2 = arith.constant 0 : index
    %get3A_3 = arith.constant 0 : index
    %get3A_4 = vector.load %arg2[%get3A_2, %get3A_3] : memref<64x512xf32, #tpu.memory_space<vmem>>, vector<64x512xf32>
    %transpose3A_5 = tpu.transpose %get3A_4, [1, 0] : vector<64x512xf32> -> vector<512x64xf32>
    %concatenate3A = tpu.concatenate %transpose3A, %transpose3A_5 in 1 : vector<512x64xf32>, vector<512x64xf32> -> vector<512x128xf32>
    %swap3A = arith.constant 0 : index
    %swap3A_6 = arith.constant 0 : index
    %swap3A_7 = vector.load %arg3[%swap3A, %swap3A_6] : memref<512x128xf32, #tpu.memory_space<vmem>>, vector<512x128xf32>
    tpu.vector_store %arg3[%swap3A, %swap3A_6], %concatenate3A {strides = array<i32>} : memref<512x128xf32, #tpu.memory_space<vmem>>, vector<512x128xf32>,
    return
  }
  func.func @transform_0(%arg0: i32) -> (i32, i32) {
    %c0_i32 = arith.constant 0 : i32
    %c0_i32_0 = arith.constant 0 : i32
    return %c0_i32, %arg0 : i32, i32
  }
  func.func @transform_1(%arg0: i32) -> (i32, i32) {
    %add3A = arith.constant 1 : i32
    %add3A_0 = arith.addi %arg0, %add3A : i32
    %c0_i32 = arith.constant 0 : i32
    %c0_i32_1 = arith.constant 0 : i32
    return %c0_i32, %add3A_0 : i32, i32
  }
  func.func @transform_2(%arg0: i32) -> (i32, i32) {
    %c0_i32 = arith.constant 0 : i32
    %c0_i32_0 = arith.constant 0 : i32
    return %arg0, %c0_i32 : i32, i32
  }
}

module attributes {stable_mosaic.version = 14 : i64} {
  func.func @_pack_body(%arg0: i32, %arg1: memref<64x10880xf32, #tpu.memory_space<vmem>>, %arg2: memref<64x10880xf32, #tpu.memory_space<vmem>>, %arg3: memref<10880x128xf32, #tpu.memory_space<vmem>>) attributes {dimension_semantics = [#tpu.dimension_semantics<arbitrary>], iteration_bounds = array<i64: 46>, scalar_prefetch = 0 : i64, scratch_operands = 0 : i64, tpu.core_type = #tpu.core_type<tc>, window_params = [{transform_indices = @transform_0, window_bounds = array<i64: 64, 10880>}, {transform_indices = @transform_1, window_bounds = array<i64: 64, 10880>}, {transform_indices = @transform_2, window_bounds = array<i64: 10880, 128>}]} {
    %get3A = arith.constant 0 : index
    %get3A_0 = arith.constant 0 : index
    %get3A_1 = vector.load %arg1[%get3A, %get3A_0] : memref<64x10880xf32, #tpu.memory_space<vmem>>, vector<64x10880xf32>
    %transpose3A = tpu.transpose %get3A_1, [1, 0] : vector<64x10880xf32> -> vector<10880x64xf32>
    %get3A_2 = arith.constant 0 : index
    %get3A_3 = arith.constant 0 : index
    %get3A_4 = vector.load %arg2[%get3A_2, %get3A_3] : memref<64x10880xf32, #tpu.memory_space<vmem>>, vector<64x10880xf32>
    %transpose3A_5 = tpu.transpose %get3A_4, [1, 0] : vector<64x10880xf32> -> vector<10880x64xf32>
    %concatenate3A = tpu.concatenate %transpose3A, %transpose3A_5 in 1 : vector<10880x64xf32>, vector<10880x64xf32> -> vector<10880x128xf32>
    %swap3A = arith.constant 0 : index
    %swap3A_6 = arith.constant 0 : index
    %swap3A_7 = vector.load %arg3[%swap3A, %swap3A_6] : memref<10880x128xf32, #tpu.memory_space<vmem>>, vector<10880x128xf32>
    tpu.vector_store %arg3[%swap3A, %swap3A_6], %concatenate3A {strides = array<i32>} : memref<10880x128xf32, #tpu.memory_space<vmem>>, vector<10880x128xf32>,
    return
  }
  func.func @transform_0(%arg0: i32) -> (i32, i32) {
    %c0_i32 = arith.constant 0 : i32
    %c0_i32_0 = arith.constant 0 : i32
    return %c0_i32, %arg0 : i32, i32
  }
  func.func @transform_1(%arg0: i32) -> (i32, i32) {
    %add3A = arith.constant 46 : i32
    %add3A_0 = arith.addi %arg0, %add3A : i32
    %c0_i32 = arith.constant 0 : i32
    %c0_i32_1 = arith.constant 0 : i32
    return %c0_i32, %add3A_0 : i32, i32
  }
  func.func @transform_2(%arg0: i32) -> (i32, i32) {
    %c0_i32 = arith.constant 0 : i32
    %c0_i32_0 = arith.constant 0 : i32
    return %arg0, %c0_i32 : i32, i32
  }
}

module attributes {stable_mosaic.version = 14 : i64} {
  func.func @_pack_body(%arg0: i32, %arg1: memref<64x10240xf32, #tpu.memory_space<vmem>>, %arg2: memref<64x10240xf32, #tpu.memory_space<vmem>>, %arg3: memref<10240x128xf32, #tpu.memory_space<vmem>>) attributes {dimension_semantics = [#tpu.dimension_semantics<arbitrary>], iteration_bounds = array<i64: 5>, scalar_prefetch = 0 : i64, scratch_operands = 0 : i64, tpu.core_type = #tpu.core_type<tc>, window_params = [{transform_indices = @transform_0, window_bounds = array<i64: 64, 10240>}, {transform_indices = @transform_1, window_bounds = array<i64: 64, 10240>}, {transform_indices = @transform_2, window_bounds = array<i64: 10240, 128>}]} {
    %get3A = arith.constant 0 : index
    %get3A_0 = arith.constant 0 : index
    %get3A_1 = vector.load %arg1[%get3A, %get3A_0] : memref<64x10240xf32, #tpu.memory_space<vmem>>, vector<64x10240xf32>
    %transpose3A = tpu.transpose %get3A_1, [1, 0] : vector<64x10240xf32> -> vector<10240x64xf32>
    %get3A_2 = arith.constant 0 : index
    %get3A_3 = arith.constant 0 : index
    %get3A_4 = vector.load %arg2[%get3A_2, %get3A_3] : memref<64x10240xf32, #tpu.memory_space<vmem>>, vector<64x10240xf32>
    %transpose3A_5 = tpu.transpose %get3A_4, [1, 0] : vector<64x10240xf32> -> vector<10240x64xf32>
    %concatenate3A = tpu.concatenate %transpose3A, %transpose3A_5 in 1 : vector<10240x64xf32>, vector<10240x64xf32> -> vector<10240x128xf32>
    %swap3A = arith.constant 0 : index
    %swap3A_6 = arith.constant 0 : index
    %swap3A_7 = vector.load %arg3[%swap3A, %swap3A_6] : memref<10240x128xf32, #tpu.memory_space<vmem>>, vector<10240x128xf32>
    tpu.vector_store %arg3[%swap3A, %swap3A_6], %concatenate3A {strides = array<i32>} : memref<10240x128xf32, #tpu.memory_space<vmem>>, vector<10240x128xf32>,
    return
  }
  func.func @transform_0(%arg0: i32) -> (i32, i32) {
    %c0_i32 = arith.constant 0 : i32
    %c0_i32_0 = arith.constant 0 : i32
    return %c0_i32, %arg0 : i32, i32
  }
  func.func @transform_1(%arg0: i32) -> (i32, i32) {
    %add3A = arith.constant 5 : i32
    %add3A_0 = arith.addi %arg0, %add3A : i32
    %c0_i32 = arith.constant 0 : i32
    %c0_i32_1 = arith.constant 0 : i32
    return %c0_i32, %add3A_0 : i32, i32
  }
  func.func @transform_2(%arg0: i32) -> (i32, i32) {
    %c0_i32 = arith.constant 0 : i32
    %c0_i32_0 = arith.constant 0 : i32
    return %arg0, %c0_i32 : i32, i32
  }
}

module attributes {stable_mosaic.version = 14 : i64} {
  func.func @_mlp_body(%arg0: i32, %arg1: memref<4096x128xf32, #tpu.memory_space<vmem>>, %arg2: memref<4096x128xf32, #tpu.memory_space<vmem>>, %arg3: memref<4096x128xf32, #tpu.memory_space<vmem>>, %arg4: memref<4096x1xi32, #tpu.memory_space<vmem>>, %arg5: memref<192x128xf32, #tpu.memory_space<vmem>>, %arg6: memref<1x128xf32, #tpu.memory_space<vmem>>, %arg7: memref<64x128xf32, #tpu.memory_space<vmem>>, %arg8: memref<1x64xf32, #tpu.memory_space<vmem>>, %arg9: memref<64x4096xf32, #tpu.memory_space<vmem>>) attributes {dimension_semantics = [#tpu.dimension_semantics<arbitrary>], iteration_bounds = array<i64: 4>, scalar_prefetch = 0 : i64, scratch_operands = 0 : i64, tpu.core_type = #tpu.core_type<tc>, window_params = [{transform_indices = @transform_0, window_bounds = array<i64: 4096, 128>}, {transform_indices = @transform_1, window_bounds = array<i64: 4096, 128>}, {transform_indices = @transform_2, window_bounds = array<i64: 4096, 128>}, {transform_indices = @transform_3, window_bounds = array<i64: 4096, 1>}, {pipeline_mode = #tpu.pipeline_mode<synchronous>, transform_indices = @transform_4, window_bounds = array<i64: 192, 128>}, {pipeline_mode = #tpu.pipeline_mode<synchronous>, transform_indices = @transform_5, window_bounds = array<i64: 1, 128>}, {pipeline_mode = #tpu.pipeline_mode<synchronous>, transform_indices = @transform_6, window_bounds = array<i64: 64, 128>}, {pipeline_mode = #tpu.pipeline_mode<synchronous>, transform_indices = @transform_7, window_bounds = array<i64: 1, 64>}, {transform_indices = @transform_8, window_bounds = array<i64: 64, 4096>}]} {
    %get3A = arith.constant 0 : index
    %get3A_0 = arith.constant 0 : index
    %get3A_1 = vector.load %arg4[%get3A, %get3A_0] : memref<4096x1xi32, #tpu.memory_space<vmem>>, vector<4096x1xi32>
    %and3A = arith.constant 1 : i32
    %and3A_2 = vector.broadcast %and3A : i32 to vector<4096x1xi32>
    %and3A_3 = arith.andi %get3A_1, %and3A_2 : vector<4096x1xi32>
    %ne3A = arith.constant 0 : i32
    %ne3A_4 = vector.broadcast %ne3A : i32 to vector<4096x1xi32>
    %ne3A_5 = arith.cmpi ne, %and3A_3, %ne3A_4 : vector<4096x1xi32>
    %get3A_6 = arith.constant 0 : index
    %get3A_7 = arith.constant 64 : index
    %get3A_8 = vector.load %arg1[%get3A_6, %get3A_7] : memref<4096x128xf32, #tpu.memory_space<vmem>>, vector<4096x64xf32>
    %get3A_9 = arith.constant 0 : index
    %get3A_10 = arith.constant 0 : index
    %get3A_11 = vector.load %arg1[%get3A_9, %get3A_10] : memref<4096x128xf32, #tpu.memory_space<vmem>>, vector<4096x64xf32>
    %broadcast_in_dim3A = vector.shape_cast %ne3A_5 : vector<4096x1xi1> to vector<4096x1xi1>
    %broadcast_in_dim3A_12 = vector.broadcast %broadcast_in_dim3A : vector<4096x1xi1> to vector<4096x64xi1>
    %select_n3A = arith.select %broadcast_in_dim3A_12, %get3A_8, %get3A_11 : vector<4096x64xi1>, vector<4096x64xf32>
    %and3A_13 = arith.constant 2 : i32
    %and3A_14 = vector.broadcast %and3A_13 : i32 to vector<4096x1xi32>
    %and3A_15 = arith.andi %get3A_1, %and3A_14 : vector<4096x1xi32>
    %ne3A_16 = arith.constant 0 : i32
    %ne3A_17 = vector.broadcast %ne3A_16 : i32 to vector<4096x1xi32>
    %ne3A_18 = arith.cmpi ne, %and3A_15, %ne3A_17 : vector<4096x1xi32>
    %get3A_19 = arith.constant 0 : index
    %get3A_20 = arith.constant 64 : index
    %get3A_21 = vector.load %arg2[%get3A_19, %get3A_20] : memref<4096x128xf32, #tpu.memory_space<vmem>>, vector<4096x64xf32>
    %get3A_22 = arith.constant 0 : index
    %get3A_23 = arith.constant 0 : index
    %get3A_24 = vector.load %arg2[%get3A_22, %get3A_23] : memref<4096x128xf32, #tpu.memory_space<vmem>>, vector<4096x64xf32>
    %broadcast_in_dim3A_25 = vector.shape_cast %ne3A_18 : vector<4096x1xi1> to vector<4096x1xi1>
    %broadcast_in_dim3A_26 = vector.broadcast %broadcast_in_dim3A_25 : vector<4096x1xi1> to vector<4096x64xi1>
    %select_n3A_27 = arith.select %broadcast_in_dim3A_26, %get3A_21, %get3A_24 : vector<4096x64xi1>, vector<4096x64xf32>
    %and3A_28 = arith.constant 4 : i32
    %and3A_29 = vector.broadcast %and3A_28 : i32 to vector<4096x1xi32>
    %and3A_30 = arith.andi %get3A_1, %and3A_29 : vector<4096x1xi32>
    %ne3A_31 = arith.constant 0 : i32
    %ne3A_32 = vector.broadcast %ne3A_31 : i32 to vector<4096x1xi32>
    %ne3A_33 = arith.cmpi ne, %and3A_30, %ne3A_32 : vector<4096x1xi32>
    %get3A_34 = arith.constant 0 : index
    %get3A_35 = arith.constant 64 : index
    %get3A_36 = vector.load %arg3[%get3A_34, %get3A_35] : memref<4096x128xf32, #tpu.memory_space<vmem>>, vector<4096x64xf32>
    %get3A_37 = arith.constant 0 : index
    %get3A_38 = arith.constant 0 : index
    %get3A_39 = vector.load %arg3[%get3A_37, %get3A_38] : memref<4096x128xf32, #tpu.memory_space<vmem>>, vector<4096x64xf32>
    %broadcast_in_dim3A_40 = vector.shape_cast %ne3A_33 : vector<4096x1xi1> to vector<4096x1xi1>
    %broadcast_in_dim3A_41 = vector.broadcast %broadcast_in_dim3A_40 : vector<4096x1xi1> to vector<4096x64xi1>
    %select_n3A_42 = arith.select %broadcast_in_dim3A_41, %get3A_36, %get3A_39 : vector<4096x64xi1>, vector<4096x64xf32>
    %concatenate3A = tpu.concatenate %select_n3A, %select_n3A_27, %select_n3A_42 in 1 : vector<4096x64xf32>, vector<4096x64xf32>, vector<4096x64xf32> -> vector<4096x192xf32>
    %get3A_43 = arith.constant 0 : index
    %get3A_44 = arith.constant 0 : index
    %get3A_45 = vector.load %arg5[%get3A_43, %get3A_44] : memref<192x128xf32, #tpu.memory_space<vmem>>, vector<192x128xf32>
    %dot_general3A = arith.constant dense<0.000000e+00> : vector<4096x128xf32>
    %dot_general3A_46 = tpu.matmul %concatenate3A, %get3A_45, %dot_general3A {dimension_numbers = #tpu.dot_dimension_numbers<[1], [0], [0], [1], [0, 0, 1, 1], [], []>, transpose_lhs_hint = false} : vector<4096x192xf32>, vector<192x128xf32>, vector<4096x128xf32> -> vector<4096x128xf32>
    %get3A_47 = arith.constant 0 : index
    %get3A_48 = arith.constant 0 : index
    %get3A_49 = vector.load %arg6[%get3A_47, %get3A_48] : memref<1x128xf32, #tpu.memory_space<vmem>>, vector<1x128xf32>
    %add3A = vector.broadcast %get3A_49 : vector<1x128xf32> to vector<4096x128xf32>
    %add3A_50 = arith.addf %dot_general3A_46, %add3A : vector<4096x128xf32>
    %max3A = arith.constant 0.000000e+00 : f32
    %max3A_51 = vector.broadcast %max3A : f32 to vector<4096x128xf32>
    %max3A_52 = arith.maximumf %add3A_50, %max3A_51 : vector<4096x128xf32>
    %get3A_53 = arith.constant 0 : index
    %get3A_54 = arith.constant 0 : index
    %get3A_55 = vector.load %arg7[%get3A_53, %get3A_54] : memref<64x128xf32, #tpu.memory_space<vmem>>, vector<64x128xf32>
    %dot_general3A_56 = arith.constant dense<0.000000e+00> : vector<4096x64xf32>
    %dot_general3A_57 = tpu.matmul %max3A_52, %get3A_55, %dot_general3A_56 {dimension_numbers = #tpu.dot_dimension_numbers<[1], [1], [0], [0], [0, 0, 1, 0], [], []>, transpose_lhs_hint = false} : vector<4096x128xf32>, vector<64x128xf32>, vector<4096x64xf32> -> vector<4096x64xf32>
    %get3A_58 = arith.constant 0 : index
    %get3A_59 = arith.constant 0 : index
    %get3A_60 = vector.load %arg8[%get3A_58, %get3A_59] : memref<1x64xf32, #tpu.memory_space<vmem>>, vector<1x64xf32>
    %add3A_61 = vector.broadcast %get3A_60 : vector<1x64xf32> to vector<4096x64xf32>
    %add3A_62 = arith.addf %dot_general3A_57, %add3A_61 : vector<4096x64xf32>
    %max3A_63 = arith.constant 0.000000e+00 : f32
    %max3A_64 = vector.broadcast %max3A_63 : f32 to vector<4096x64xf32>
    %max3A_65 = arith.maximumf %add3A_62, %max3A_64 : vector<4096x64xf32>
    %transpose3A = tpu.transpose %max3A_65, [1, 0] : vector<4096x64xf32> -> vector<64x4096xf32>
    %swap3A = arith.constant 0 : index
    %swap3A_66 = arith.constant 0 : index
    %swap3A_67 = vector.load %arg9[%swap3A, %swap3A_66] : memref<64x4096xf32, #tpu.memory_space<vmem>>, vector<64x4096xf32>
    tpu.vector_store %arg9[%swap3A, %swap3A_66], %transpose3A {strides = array<i32>} : memref<64x4096xf32, #tpu.memory_space<vmem>>, vector<64x4096xf32>,
    return
  }
  func.func @transform_0(%arg0: i32) -> (i32, i32) {
    %c0_i32 = arith.constant 0 : i32
    %c0_i32_0 = arith.constant 0 : i32
    return %arg0, %c0_i32 : i32, i32
  }
  func.func @transform_1(%arg0: i32) -> (i32, i32) {
    %c0_i32 = arith.constant 0 : i32
    %c0_i32_0 = arith.constant 0 : i32
    return %arg0, %c0_i32 : i32, i32
  }
  func.func @transform_2(%arg0: i32) -> (i32, i32) {
    %c0_i32 = arith.constant 0 : i32
    %c0_i32_0 = arith.constant 0 : i32
    return %arg0, %c0_i32 : i32, i32
  }
  func.func @transform_3(%arg0: i32) -> (i32, i32) {
    %c0_i32 = arith.constant 0 : i32
    %c0_i32_0 = arith.constant 0 : i32
    return %arg0, %c0_i32 : i32, i32
  }
  func.func @transform_4(%arg0: i32) -> (i32, i32) {
    %c0_i32 = arith.constant 0 : i32
    %c0_i32_0 = arith.constant 0 : i32
    %c0_i32_1 = arith.constant 0 : i32
    return %c0_i32, %c0_i32_0 : i32, i32
  }
  func.func @transform_5(%arg0: i32) -> (i32, i32) {
    %c0_i32 = arith.constant 0 : i32
    %c0_i32_0 = arith.constant 0 : i32
    %c0_i32_1 = arith.constant 0 : i32
    return %c0_i32, %c0_i32_0 : i32, i32
  }
  func.func @transform_6(%arg0: i32) -> (i32, i32) {
    %c0_i32 = arith.constant 0 : i32
    %c0_i32_0 = arith.constant 0 : i32
    %c0_i32_1 = arith.constant 0 : i32
    return %c0_i32, %c0_i32_0 : i32, i32
  }
  func.func @transform_7(%arg0: i32) -> (i32, i32) {
    %c0_i32 = arith.constant 0 : i32
    %c0_i32_0 = arith.constant 0 : i32
    %c0_i32_1 = arith.constant 0 : i32
    return %c0_i32, %c0_i32_0 : i32, i32
  }
  func.func @transform_8(%arg0: i32) -> (i32, i32) {
    %c0_i32 = arith.constant 0 : i32
    %c0_i32_0 = arith.constant 0 : i32
    return %c0_i32, %arg0 : i32, i32
  }
}

</mosaic_0001>

<sc_bundles>
// kernel: kernel.11.cloned.1.call-start
scs
__scs_entry_jumppad:
0x0: {  	(pc) =	sbr.rel $0x88, $3  }
0x1: {  	(tag) =	ssettag $0x0;
	lr =	simm.s32 $0x1  }
0x2: {  	[smem:$0x3F97] =	sst lr;
	_ =	strace $0xD0000000  }
0x3: {  	_ = 	snop  }
0x4: {  	_ = 	snop  }
0x5: {  	_ = 	snop  }
0x6: {  	_ = 	snop  }
0x7: {  	_ = 	snop  }
__scs_overlays_trampoline_lowered:
0x8: {  	[smem:$0x3FA6] =	sst s0  }
0x9: {  	[smem:$0x3FA7] =	sst s1  }
0xa: {  	[smem:$0x3FA8] =	sst s2  }
0xb: {  	[smem:$0x3FA9] =	sst s3  }
0xc: {  	[smem:$0x3FAA] =	sst s4  }
0xd: {  	[smem:$0x3FAB] =	sst s5  }
0xe: {  	[smem:$0x3FAC] =	sst s6  }
0xf: {  	[smem:$0x3FAD] =	sst s7  }
0x10: {  	[smem:$0x3FAE] =	sst s8  }
0x11: {  	[smem:$0x3FAF] =	sst s9;
	s0 =	simm.s32 @!p0 $0x0  }
0x12: {  	s1 =	sld [smem:$0x3F95];
	s0 =	simm.s32 @p0 $0x1  }
0x13: {  	[smem:$0x3FB0] =	sst s0;
	s0 =	simm.s32 @!p1 $0x0  }
0x14: {  	s2 =	sld [smem:$0x3F94];
	s0 =	simm.s32 @p1 $0x1  }
0x15: {  	[smem:$0x3FB1] =	sst s0;
	s0 =	simm.s32 @!p2 $0x0  }
0x16: {  	s3 =	sld [smem:$0x3FDB];
	s0 =	simm.s32 @p2 $0x1  }
0x17: {  	s4 =	simm.s32 $0x1BF5;
	[smem:$0x3FB3] =	sst s0  }
0x18: {  	s0 =	sld [smem:$0x3F96];
	_ =	swait.ge [sflag:s4], $0x0  }
0x19: {  	s7 =	sld [smem:$0x3F97]  }
0x1a: {  	s8 =	sadd.s32 $0xFFFFE003, lr  }
0x1b: {  	s9 =	sadd.s32 $0xFFFFFEF7, lr;
	s5 =	simm.s32 $0xFFFFFFFF;
	p2 =	slt.u32 s8, $0xFFFFF086  }
0x1c: {  	p1 =	slt.u32 s9, $0xF7A;
	s5 =	simm.s32 @!p2 $0x0  }
0x1d: {  	s5 =	simm.s32 @p1 $0x1;
	p0 =	seq.s32 s7, s2  }
0x1e: {  	s7 =	smul.u32 @!p0 $0xF7A, s2;
	p2 =	seq.s32 @!p0 s5, $0x0  }
0x1f: {  	s9 =	smul.u32 $0xF7A, s1;
	s8 =	simm.s32 @!p0 $0x1BF5;
	p2 =	por !p2, p0  }
0x20: {  	[sflag:s8] =	ssyncset.s32 @!p0 $0xFFFFF086;
	s6 =	sadd.s32 @!p0 s3, s7;
	s7 =	simm.s32 @!p0 $0x108  }
0x21: {  	s3 =	sadd.s32 s3, s9;
	s6 =	sadd.s32 @!p0 $0x88, s6;
	s7 =	simm.s32 @p2 $0x1082  }
0x22: {  	[simem:s7], [sflag:s8] =	dma.local @!p0 [hbm:s6], $0xF7A  }
0x23: {  	s9 =	sor.u32 $0xD0000000, s2;
	s6 =	simm.s32 $0x108;
	_ =	swait.ge @!p0 [sflag:s8], $0x0  }
0x24: {  	s3 =	sadd.s32 $0x88, s3;
	s6 =	simm.s32 @!p1 $0x1082;
	[sflag:s4] =	ssyncset.s32 $0xFFFFF086  }
0x25: {  	[simem:s6], [sflag:s4] =	dma.local [hbm:s3], $0xF7A  }
0x26: {  	[smem:$0x3F97] =	sst s1;
	(tag) =	ssettag s2;
	_ =	strace s9  }
0x27: {  	s1 =	sld [smem:$0x3FA7]  }
0x28: {  	s2 =	sld [smem:$0x3FA8]  }
0x29: {  	s4 =	sld [smem:$0x3FAA]  }
0x2a: {  	p0 =	seq.s32 s5, $0x0;
	s5 =	sld [smem:$0x3FAB]  }
0x2b: {  	s6 =	sld [smem:$0x3FAC]  }
0x2c: {  	s7 =	sld [smem:$0x3FAD]  }
0x2d: {  	s3 =	simm.s32 $0x108;
	s8 =	sld [smem:$0x3FAE]  }
0x2e: {  	s3 =	simm.s32 @!p0 $0x1082;
	s9 =	sld [smem:$0x3FAF]  }
0x2f: {  	lr =	sadd.s32 s0, s3;
	s0 =	sld [smem:$0x3FA6]  }
0x30: {  	s3 =	sld [smem:$0x3FA9]  }
0x31: {  	[smem:$0x3FB2] =	sst s10  }
0x32: {  	s10 =	sld [smem:$0x3FB0];
	_ =	sdelay $0x3  }
0x33: {  	p0 =	seq.s32 s10, $0x1;
	s10 =	sld [smem:$0x3FB2];
	_ =	sdelay $0x3  }
0x34: {  	[smem:$0x3FB2] =	sst s10  }
0x35: {  	s10 =	sld [smem:$0x3FB1];
	_ =	sdelay $0x3  }
0x36: {  	p1 =	seq.s32 s10, $0x1;
	s10 =	sld [smem:$0x3FB2];
	_ =	sdelay $0x3  }
0x37: {  	[smem:$0x3FB2] =	sst s10  }
0x38: {  	s10 =	sld [smem:$0x3FB3]  }
0x39: {  	_ = 	snop;
	(pc) =	sbr.ind lr, $3  }
0x3a: {  	_ = 	snop  }
0x3b: {  	_ = 	snop  }
0x3c: {  	p2 =	seq.s32 s10, $0x1;
	s10 =	sld [smem:$0x3FB2]  }
0x3d: {  	_ =	shalt  }
0x3e: {  	_ =	shalt  }
0x3f: {  	_ =	shalt  }
0x40: {  	_ =	shalt  }
0x41: {  	_ =	shalt  }
0x42: {  	_ =	shalt  }
0x43: {  	_ =	shalt  }
0x44: {  	_ =	shalt  }
0x45: {  	_ =	shalt  }
0x46: {  	_ =	shalt  }
0x47: {  	_ =	shalt  }
0x48: {  	_ =	shalt  }
0x49: {  	_ =	shalt  }
0x4a: {  	_ =	shalt  }
0x4b: {  	_ =	shalt  }
0x4c: {  	_ =	shalt  }
0x4d: {  	_ =	shalt  }
0x4e: {  	_ =	shalt  }
0x4f: {  	_ =	shalt  }
0x50: {  	_ =	shalt  }
0x51: {  	_ =	shalt  }
0x52: {  	_ =	shalt  }
0x53: {  	_ =	shalt  }
0x54: {  	_ =	shalt  }
0x55: {  	_ =	shalt  }
0x56: {  	_ =	shalt  }
0x57: {  	_ =	shalt  }
0x58: {  	_ =	shalt  }
0x59: {  	_ =	shalt  }
0x5a: {  	_ =	shalt  }
0x5b: {  	_ =	shalt  }
0x5c: {  	_ =	shalt  }
0x5d: {  	_ =	shalt  }
0x5e: {  	_ =	shalt  }
0x5f: {  	_ =	shalt  }
0x60: {  	_ =	shalt  }
0x61: {  	_ =	shalt  }
0x62: {  	_ =	shalt  }
0x63: {  	_ =	shalt  }
0x64: {  	_ =	shalt  }
0x65: {  	_ =	shalt  }
0x66: {  	_ =	shalt  }
0x67: {  	_ =	shalt  }
0x68: {  	_ =	shalt  }
0x69: {  	_ =	shalt  }
0x6a: {  	_ =	shalt  }
0x6b: {  	_ =	shalt  }
0x6c: {  	_ =	shalt  }
0x6d: {  	_ =	shalt  }
0x6e: {  	_ =	shalt  }
0x6f: {  	_ =	shalt  }
0x70: {  	_ =	shalt  }
0x71: {  	_ =	shalt  }
0x72: {  	_ =	shalt  }
0x73: {  	_ =	shalt  }
0x74: {  	_ =	shalt  }
0x75: {  	_ =	shalt  }
0x76: {  	_ =	shalt  }
0x77: {  	_ =	shalt  }
0x78: {  	_ =	shalt  }
0x79: {  	_ =	shalt  }
0x7a: {  	_ =	shalt  }
0x7b: {  	_ =	shalt  }
0x7c: {  	_ =	shalt  }
0x7d: {  	_ =	shalt  }
0x7e: {  	_ =	shalt  }
0x7f: {  	_ =	shalt  }
0x80: {  	_ =	shalt  }
0x81: {  	_ =	shalt  }
0x82: {  	_ =	shalt  }
0x83: {  	_ =	shalt  }
0x84: {  	_ =	shalt  }
0x85: {  	_ =	shalt  }
0x86: {  	_ =	shalt  }
0x87: {  	_ =	shalt  }
.Lfunc_end0:
.L_simem_size_0:
called_computation.1_lowered:
.L_overlay_start_0:
0x88: {  	s2 =	sld [smem:$0x3FD9]  }
0x89: {  	s3 =	sld [smem:$0x3FFE];
	_ =	sdelay $0x1  }
0x8a: {  	s1 =	srdreg.scid  }
0x8b: {  	s0 =	sand.u32 $0x1, s1  }
0x8c: {  	s17 =	sshll.u32 s0, $0xA;
	s2 =	sadd.s32 s3, s2  }
0x8d: {  	s2 =	sadd.s32 s2, s17  }
0x8e: {  	[smem:$0x3FBE] =	sst s2  }
0x8f: {  	_ = 	snop  }
0x90: {  	(tm) =	ssettm $0x1  }
0x91: {  	s18 =	sld [smem:$0x3FFB];
	_ =	sdelay $0x3  }
0x92: {  	_ =	strace s18  }
0x93: {  	s2 =	sld [smem:$0x3FFC];
	_ =	sdelay $0x3  }
0x94: {  	_ =	strace s2  }
0x95: {  	s2 =	sld [smem:$0x3FFD];
	_ =	sdelay $0x3  }
0x96: {  	_ =	strace s2  }
0x97: {  	_ =	strace $0x8FFFFFFF  }
0x98: {  	s19 =	sld [smem:$0x3FDB];
	_ =	sdelay $0x1  }
0x99: {  	s20 =	simm.s32 $_scs_section_size  }
0x9a: {  	s4 =	simm.s32 $_size__tile_overlayer_lowered;
	s5 =	simm.s32 $_tile_overlayer_lowered  }
0x9b: {  	s6 =	simm.s32 $0x1BFF;
	s21 =	sshll.u32 s5, $0x1;
	s3 =	sadd.s32 s20, s19  }
0x9c: {  	s22 =	simm.s32 $0x0;
	s4 =	sshll.u32 s4, $0x1;
	s5 =	sadd.s32 s21, s3  }
0x9d: {  	[timem:s22], [sflag:s6] =	dma.local [hbm:s5], s4  }
0x9e: {  	_ =	swait.ge [sflag:s6], s4  }
0x9f: {  	s4 =	ssub.s32 $0x0, s4;
	[sflag:s6] =	ssyncset.done $0x0  }
0xa0: {  	[sflag:s6] =	ssyncadd.s32 s4;
	_ =	sdelay $0x1  }
0xa1: {  	s23 =	simm.s32 $0x1B8B  }
0xa2: {  	_ =	swait.ge [sflag:s23], $0x1  }
0xa3: {  	[sflag:s23] =	ssyncset.done $0x0  }
0xa4: {  	[sflag:s23] =	ssyncadd.s32 $0xFFFFFFFF  }
0xa5: {  	s4 =	sld [smem:$0x0]  }
0xa6: {  	s5 =	sand.u32 $0xFFFFFFFE, s1  }
0xa7: {  	p0 =	sne.s32 s1, s5  }
0xa8: {  	s5 =	sshll.u32 @p0 s5, $0xE  }
0xa9: {  	s5 =	sadd.s32 @p0 $0x11B8D, s5;
	s6 =	sshll.u32 @p0 s4, $0x11  }
0xaa: {  	s5 =	sor.u32 @p0 s6, s5  }
0xab: {  	[sflag:s5] =	ssyncadd.remote.s32 @p0 $0x1;
	_ =	sdelay $0x1  }
0xac: {  	s5 =	simm.s32 @p0 $0x1B8D  }
0xad: {  	_ =	swait.eq @p0 [sflag:s5], $0x1  }
0xae: {  	[sflag:s5] =	ssyncadd.s32 @p0 $0xFFFFFFFF  }
0xaf: {  	s6 =	sshll.u32 @!p0 s1, $0xE  }
0xb0: {  	s6 =	sor.u32 @!p0 $0x4000, s6;
	s5 =	simm.s32 @!p0 $0x1B8D  }
0xb1: {  	s4 =	sshll.u32 @!p0 s4, $0x11;
	s6 =	sadd.s32 @!p0 $0x11B8D, s6;
	_ =	swait.eq @!p0 [sflag:s5], $0x1  }
0xb2: {  	s4 =	sor.u32 @!p0 s4, s6;
	[sflag:s5] =	ssyncadd.s32 @!p0 $0xFFFFFFFF  }
0xb3: {  	s25 =	simm.s32 $0x1B8E;
	s24 =	sld [smem:$0x3FFE];
	[sflag:s4] =	ssyncadd.remote.s32 @!p0 $0x1  }
0xb4: {  	s26 =	simm.s32 $execute0_lowered;
	[smem:$0x3FD2] =	sst s25  }
0xb5: {  	s5 =	sshll.u32 s26, $0x1;
	_ =	strace $0x80000049;
	[dreg:$0x1] =	wrdreg $0xFFFFFFFF  }
0xb6: {  	s28 =	simm.s32 $_size_execute0_lowered;
	s3 =	sadd.s32 s3, s5;
	[dreg:$0x0] =	wrdreg $0x0  }
0xb7: {  	s5 =	sshll.u32 s28, $0x1;
	[dreg:$0x2] =	wrdreg s3  }
0xb8: {  	[dreg:$0x3] =	wrdreg s5  }
0xb9: {  	[dreg:$0x4] =	wrdreg $0xC0  }
0xba: {  	_ =	task [dreg:s22], $0x5FFFF  }
0xbb: {  	[dreg:$0x1] =	wrdreg $0xFFFFFFFF  }
0xbc: {  	[dreg:$0x0] =	wrdreg $0x60  }
0xbd: {  	[dreg:$0x2] =	wrdreg s24  }
0xbe: {  	[dreg:$0x3] =	wrdreg $0xA  }
0xbf: {  	_ =	task.clear_ibuf [dreg:s22], $0x4FFFF;
	_ =	strace $0x90000049  }
0xc0: {  	s29 =	simm.s32 $0xA;
	_ =	strace $0x8000004B  }
0xc1: {  	_ =	swait.ge [sflag:s29], $0x1  }
0xc2: {  	[sflag:s29] =	ssyncadd.s32 $0xFFFFFFFF  }
0xc3: {  	_ =	strace $0x9000004B  }
0xc4: {  	_ =	sfence  }
0xc5: {  	s30 =	sld [smem:$0x0];
	_ =	sdelay $0x2  }
0xc6: {  	s31 =	sshll.u32 s1, $0xD;
	s1 =	sshrl.u32 s1, $0x2  }
0xc7: {  	s4 =	sand.u32 $0x4000, s31;
	s1 =	sadd.s32 s1, s30  }
0xc8: {  	s0 =	sor.u32 s4, s0;
	s1 =	sshll.u32 s1, $0x11  }
0xc9: {  	s0 =	sor.u32 s1, s0  }
0xca: {  	s0 =	sadd.s32 $0x8F2B, s0  }
0xcb: {  	[sflag:s0] =	ssyncadd.remote.s32 $0x1  }
0xcc: {  	_ =	sfence.sel $0xFFFF  }
0xcd: {  	[dreg:$0x0] =	wrdreg $0xFFFFFFFF;
	(pc) =	sbr.abs _section_cstart, $3  }
0xce: {  	[dreg:$0x1] =	wrdreg $0xFFFFFFFF  }
0xcf: {  	_ =	task.clear_ibuf [dreg:s22], $0x2FFFF;
	_ =	strace $0x9FFFFFFF  }
0xd0: {  	(tm) =	ssettm $0x7FFFFFFF  }
0xd1: {  	_ =	shalt  }
tec
execute0_lowered:
.L_overlay_start_1:
0x0: {  	(tag) =	ssettag $0x1  }
0x1: {  	s1 =	srdreg.scid;
	s0 =	stileid.u32  }
0x2: {  	s18 =	sand.u32 $0x1, s1;
	s30 =	sshll.u32 s0, $0x1  }
0x3: {  	s10 =	sor.u32 s18, s30  }
0x4: {  	s9 =	rddreg [dreg:$0x0];
	s2 =	simm.s32 $0x0;
	s3 =	sshll.u32 s10, $0x6  }
0x5: {  	s4 =	simm.s32 $0x5;
	[smem:$0x7FF] =	sst s2;
	s3 =	sadd.s32 s3, s9  }
0x6: {  	s1 =	rddreg [dreg:$0x1];
	_ =	strace $0x8000004A;
	s3 =	sadd.s32 $0xCBE00, s3  }
0x7: {  	[tilespmem:s2], [sflag:$0x5] =	stream.linear.gather [hbm4b:s3+s2], $0x200, $0x38;
	[tilespmem:$0x8200] =	vst v63  }
0x8: {  	_ =	swait.ge [sflag:s4], $0x200  }
0x9: {  	s6 =	simm.s32 $0x80;
	s7 =	simm.s32 $0x200;
	[sflag:s4] =	ssyncset.done $0x0  }
0xa: {  	s8 =	simm.s32 $0x1;
	s5 =	sadd.s32 $0x14C600, s9;
	[sflag:s4] =	ssyncadd.s32 $0xFFFFFE00  }
0xb: {  	[tilespmem:s7], [sflag:$0x1] =	stream.indirect.gather [hbm4b:s5+s6], $0x80, s2, s6, $0xb8;
	[tilespmem:$0x8200] =	vst v63  }
0xc: {  	s10 =	sshll.u32 s10, $0xD;
	_ =	swait.ge [sflag:s8], $0x4000  }
0xd: {  	s19 =	sadd.s32 s10, s9;
	[sflag:s8] =	ssyncset.done $0x0  }
0xe: {  	s9 =	sadd.s32 $0x8EF600, s19;
	[sflag:s8] =	ssyncadd.s32 $0xFFFFC000  }
0xf: {  	[hbm4b:s9+s2] =	stream.linear.scatter [tilespmem:s7], [sflag:$0x3], $0x4000, $0x38;
	[tilespmem:$0x8200] =	vst v63  }
0x10: {  	s11 =	simm.s32 $0x2;
	s10 =	simm.s32 $0x4200  }
0x11: {  	[tilespmem:s10], [sflag:$0x2] =	stream.indirect.gather [hbm4b:s5+s6], $0x80, s6, s6, $0xb8;
	[tilespmem:$0x8200] =	vst v63  }
0x12: {  	_ =	swait.ge [sflag:s11], $0x4000  }
0x13: {  	[sflag:s11] =	ssyncset.done $0x0  }
0x14: {  	s13 =	simm.s32 $0x3;
	s12 =	sadd.s32 $0x8EFE00, s19;
	[sflag:s11] =	ssyncadd.s32 $0xFFFFC000  }
0x15: {  	[hbm4b:s12+s2] =	stream.linear.scatter [tilespmem:s10], [sflag:$0x4], $0x4000, $0x38;
	[tilespmem:$0x8200] =	vst v63  }
0x16: {  	_ =	swait.ge [sflag:s13], $0x4000  }
0x17: {  	[sflag:s13] =	ssyncset.done $0x0  }
0x18: {  	s14 =	simm.s32 $0x100;
	[sflag:s13] =	ssyncadd.s32 $0xFFFFC000  }
0x19: {  	[tilespmem:s7], [sflag:$0x1] =	stream.indirect.gather [hbm4b:s5+s6], $0x80, s14, s6, $0xb8;
	[tilespmem:$0x8200] =	vst v63  }
0x1a: {  	_ =	swait.ge [sflag:s8], $0x4000  }
0x1b: {  	[sflag:s8] =	ssyncset.done $0x0  }
0x1c: {  	s15 =	simm.s32 $0x4;
	s16 =	sadd.s32 $0x8F0600, s19;
	[sflag:s8] =	ssyncadd.s32 $0xFFFFC000  }
0x1d: {  	[hbm4b:s16+s2] =	stream.linear.scatter [tilespmem:s7], [sflag:$0x3], $0x4000, $0x38;
	[tilespmem:$0x8200] =	vst v63  }
0x1e: {  	_ =	swait.ge [sflag:s15], $0x4000  }
0x1f: {  	s20 =	ssub.s32 $0x2, s18;
	[sflag:s15] =	ssyncset.done $0x0  }
0x20: {  	s17 =	simm.s32 $0x180;
	s31 =	sshrl.u32 s20, $0x1;
	[sflag:s15] =	ssyncadd.s32 $0xFFFFC000  }
0x21: {  	[tilespmem:s10], [sflag:$0x2] =	stream.indirect.gather [hbm4b:s5+s6], $0x80, s17, s6, $0xb8;
	[tilespmem:$0x8200] =	vst v63  }
0x22: {  	s18 =	sadd.s32 $0x8F0E00, s19;
	s19 =	ssub.s32 s20, s31;
	_ =	swait.ge [sflag:s11], $0x4000  }
0x23: {  	s19 =	smax.u32 s19, $0x1;
	[sflag:s11] =	ssyncset.done $0x0  }
0x24: {  	p0 =	sne.s32 s19, $0x1;
	[sflag:s11] =	ssyncadd.s32 $0xFFFFC000  }
0x25: {  	[hbm4b:s18+s2] =	stream.linear.scatter [tilespmem:s10], [sflag:$0x4], $0x4000, $0x38;
	[tilespmem:$0x8200] =	vst v63  }
.Ltmp0:
0x26: {  	_ =	swait.ge [sflag:s13], $0x4000;
	(pc) =	sbr.rel @!p0 .LBB2_2-.Ltmp0, $4  }
0x27: {  	[sflag:s13] =	ssyncset.done $0x0  }
0x28: {  	[sflag:s13] =	ssyncadd.s32 $0xFFFFC000  }
0x29: {  	_ =	swait.ge [sflag:s15], $0x4000  }
0x2a: {  	s19 =	sadd.s32 $0xFFFFFFFF, s19;
	[sflag:s15] =	ssyncset.done $0x0  }
.LBB2_1:
0x2b: {  	p0 =	sne.s32 s19, $0x1;
	s19 =	sadd.s32 $0xFFFFFFFF, s19;
	[sflag:s15] =	ssyncadd.s32 $0xFFFFC000  }
0x2c: {  	[tilespmem:s2], [sflag:$0x5] =	stream.linear.gather [hbm4b:s3+s2], $0x200, $0x38;
	[tilespmem:$0x8200] =	vst v63  }
0x2d: {  	_ =	swait.ge [sflag:s4], $0x200  }
0x2e: {  	[sflag:s4] =	ssyncset.done $0x0  }
0x2f: {  	[sflag:s4] =	ssyncadd.s32 $0xFFFFFE00  }
0x30: {  	[tilespmem:s7], [sflag:$0x1] =	stream.indirect.gather [hbm4b:s5+s6], $0x80, s2, s6, $0xb8;
	[tilespmem:$0x8200] =	vst v63  }
0x31: {  	_ =	swait.ge [sflag:s8], $0x4000  }
0x32: {  	[sflag:s8] =	ssyncset.done $0x0  }
0x33: {  	[sflag:s8] =	ssyncadd.s32 $0xFFFFC000  }
0x34: {  	[hbm4b:s9+s2] =	stream.linear.scatter [tilespmem:s7], [sflag:$0x3], $0x4000, $0x38;
	[tilespmem:$0x8200] =	vst v63  }
0x35: {  	_ = 	snop  }
0x36: {  	[tilespmem:s10], [sflag:$0x2] =	stream.indirect.gather [hbm4b:s5+s6], $0x80, s6, s6, $0xb8;
	[tilespmem:$0x8200] =	vst v63  }
0x37: {  	_ =	swait.ge [sflag:s11], $0x4000  }
0x38: {  	[sflag:s11] =	ssyncset.done $0x0  }
0x39: {  	[sflag:s11] =	ssyncadd.s32 $0xFFFFC000  }
0x3a: {  	[hbm4b:s12+s2] =	stream.linear.scatter [tilespmem:s10], [sflag:$0x4], $0x4000, $0x38;
	[tilespmem:$0x8200] =	vst v63  }
0x3b: {  	_ =	swait.ge [sflag:s13], $0x4000  }
0x3c: {  	[sflag:s13] =	ssyncset.done $0x0  }
0x3d: {  	[sflag:s13] =	ssyncadd.s32 $0xFFFFC000  }
0x3e: {  	[tilespmem:s7], [sflag:$0x1] =	stream.indirect.gather [hbm4b:s5+s6], $0x80, s14, s6, $0xb8;
	[tilespmem:$0x8200] =	vst v63  }
0x3f: {  	_ =	swait.ge [sflag:s8], $0x4000  }
0x40: {  	[sflag:s8] =	ssyncset.done $0x0  }
0x41: {  	[sflag:s8] =	ssyncadd.s32 $0xFFFFC000  }
0x42: {  	[hbm4b:s16+s2] =	stream.linear.scatter [tilespmem:s7], [sflag:$0x3], $0x4000, $0x38;
	[tilespmem:$0x8200] =	vst v63  }
0x43: {  	_ =	swait.ge [sflag:s15], $0x4000  }
0x44: {  	[sflag:s15] =	ssyncset.done $0x0  }
0x45: {  	[sflag:s15] =	ssyncadd.s32 $0xFFFFC000  }
0x46: {  	[tilespmem:s10], [sflag:$0x2] =	stream.indirect.gather [hbm4b:s5+s6], $0x80, s17, s6, $0xb8;
	[tilespmem:$0x8200] =	vst v63  }
0x47: {  	_ =	swait.ge [sflag:s11], $0x4000  }
0x48: {  	[sflag:s11] =	ssyncset.done $0x0  }
0x49: {  	[sflag:s11] =	ssyncadd.s32 $0xFFFFC000  }
0x4a: {  	[hbm4b:s18+s2] =	stream.linear.scatter [tilespmem:s10], [sflag:$0x4], $0x4000, $0x38;
	[tilespmem:$0x8200] =	vst v63  }
.Ltmp1:
0x4b: {  	_ =	swait.ge [sflag:s13], $0x4000;
	(pc) =	sbr.rel @p0 .LBB2_1-.Ltmp1, $4  }
0x4c: {  	[sflag:s13] =	ssyncset.done $0x0  }
0x4d: {  	[sflag:s13] =	ssyncadd.s32 $0xFFFFC000  }
0x4e: {  	_ =	swait.ge [sflag:s15], $0x4000  }
0x4f: {  	[sflag:s15] =	ssyncset.done $0x0  }
.LBB2_2:
0x50: {  	[sflag:s15] =	ssyncadd.s32 $0xFFFFC000  }
0x51: {  	_ =	sfence.sel $0x180000  }
0x52: {  	[bflag:$0x0] =	sbarrier.arrive $0xFFFF  }
0x53: {  	p0 =	sne.s32 s0, $0x0;
	_ =	strace $0x9000004A  }
0x54: {  	s0 =	sadd.s32 @!p0 $0x100000, s1;
	[bflag:$0x2] =	sbarrier.arrive $0xFFFF  }
0x55: {  	[sflag:s0] =	ssyncadd.tile.s32 @!p0 $0x1;
	_ =	shalt  }
.Lfunc_end2:
_tile_overlayer_lowered:
.L_overlay_start_2:
0x56: {  	(tag) =	ssettag $0x2  }
0x57: {  	s0 =	rddreg [dreg:$0x0];
	s2 =	stileid.u32  }
0x58: {  	s1 =	rddreg [dreg:$0x1];
	p0 =	sne.s32 s2, $0x0  }
0x59: {  	s3 =	rddreg [dreg:$0x2];
	[bflag:$0x3] =	sbarrier.arrive $0xFFFF;
	s2 =	simm.s32 @!p0 $0x1C05  }
0x5a: {  	[timem:s3], [sflag:s2] =	dma.local @!p0 [hbm:s0], s1  }
0x5b: {  	s0 =	simm.s32 @!p0 $0x5  }
0x5c: {  	_ =	swait.ge @!p0 [sflag:s0], s1  }
0x5d: {  	s1 =	ssub.s32 @!p0 $0x0, s1;
	[sflag:s0] =	ssyncset.done @!p0 $0x0  }
0x5e: {  	[sflag:s0] =	ssyncadd.s32 @!p0 s1  }
0x5f: {  	[bflag:$0x3] =	sbarrier.arrive $0xFFFF  }
0x60: {  	_ =	shalt  }

// kernel: kernel.8.cloned.1.call-start
scs
__scs_entry_jumppad:
0x0: {  	(pc) =	sbr.rel $0x88, $3  }
0x1: {  	(tag) =	ssettag $0x0;
	lr =	simm.s32 $0x1  }
0x2: {  	[smem:$0x3F97] =	sst lr;
	_ =	strace $0xD0000000  }
0x3: {  	_ = 	snop  }
0x4: {  	_ = 	snop  }
0x5: {  	_ = 	snop  }
0x6: {  	_ = 	snop  }
0x7: {  	_ = 	snop  }
__scs_overlays_trampoline_lowered:
0x8: {  	[smem:$0x3FA6] =	sst s0  }
0x9: {  	[smem:$0x3FA7] =	sst s1  }
0xa: {  	[smem:$0x3FA8] =	sst s2  }
0xb: {  	[smem:$0x3FA9] =	sst s3  }
0xc: {  	[smem:$0x3FAA] =	sst s4  }
0xd: {  	[smem:$0x3FAB] =	sst s5  }
0xe: {  	[smem:$0x3FAC] =	sst s6  }
0xf: {  	[smem:$0x3FAD] =	sst s7  }
0x10: {  	[smem:$0x3FAE] =	sst s8  }
0x11: {  	[smem:$0x3FAF] =	sst s9;
	s0 =	simm.s32 @!p0 $0x0  }
0x12: {  	s1 =	sld [smem:$0x3F95];
	s0 =	simm.s32 @p0 $0x1  }
0x13: {  	[smem:$0x3FB0] =	sst s0;
	s0 =	simm.s32 @!p1 $0x0  }
0x14: {  	s2 =	sld [smem:$0x3F94];
	s0 =	simm.s32 @p1 $0x1  }
0x15: {  	[smem:$0x3FB1] =	sst s0;
	s0 =	simm.s32 @!p2 $0x0  }
0x16: {  	s3 =	sld [smem:$0x3FDB];
	s0 =	simm.s32 @p2 $0x1  }
0x17: {  	s4 =	simm.s32 $0x1BF5;
	[smem:$0x3FB3] =	sst s0  }
0x18: {  	s0 =	sld [smem:$0x3F96];
	_ =	swait.ge [sflag:s4], $0x0  }
0x19: {  	s7 =	sld [smem:$0x3F97]  }
0x1a: {  	s8 =	sadd.s32 $0xFFFFE003, lr  }
0x1b: {  	s9 =	sadd.s32 $0xFFFFFEF7, lr;
	s5 =	simm.s32 $0xFFFFFFFF;
	p2 =	slt.u32 s8, $0xFFFFF086  }
0x1c: {  	p1 =	slt.u32 s9, $0xF7A;
	s5 =	simm.s32 @!p2 $0x0  }
0x1d: {  	s5 =	simm.s32 @p1 $0x1;
	p0 =	seq.s32 s7, s2  }
0x1e: {  	s7 =	smul.u32 @!p0 $0xF7A, s2;
	p2 =	seq.s32 @!p0 s5, $0x0  }
0x1f: {  	s9 =	smul.u32 $0xF7A, s1;
	s8 =	simm.s32 @!p0 $0x1BF5;
	p2 =	por !p2, p0  }
0x20: {  	[sflag:s8] =	ssyncset.s32 @!p0 $0xFFFFF086;
	s6 =	sadd.s32 @!p0 s3, s7;
	s7 =	simm.s32 @!p0 $0x108  }
0x21: {  	s3 =	sadd.s32 s3, s9;
	s6 =	sadd.s32 @!p0 $0x88, s6;
	s7 =	simm.s32 @p2 $0x1082  }
0x22: {  	[simem:s7], [sflag:s8] =	dma.local @!p0 [hbm:s6], $0xF7A  }
0x23: {  	s9 =	sor.u32 $0xD0000000, s2;
	s6 =	simm.s32 $0x108;
	_ =	swait.ge @!p0 [sflag:s8], $0x0  }
0x24: {  	s3 =	sadd.s32 $0x88, s3;
	s6 =	simm.s32 @!p1 $0x1082;
	[sflag:s4] =	ssyncset.s32 $0xFFFFF086  }
0x25: {  	[simem:s6], [sflag:s4] =	dma.local [hbm:s3], $0xF7A  }
0x26: {  	[smem:$0x3F97] =	sst s1;
	(tag) =	ssettag s2;
	_ =	strace s9  }
0x27: {  	s1 =	sld [smem:$0x3FA7]  }
0x28: {  	s2 =	sld [smem:$0x3FA8]  }
0x29: {  	s4 =	sld [smem:$0x3FAA]  }
0x2a: {  	p0 =	seq.s32 s5, $0x0;
	s5 =	sld [smem:$0x3FAB]  }
0x2b: {  	s6 =	sld [smem:$0x3FAC]  }
0x2c: {  	s7 =	sld [smem:$0x3FAD]  }
0x2d: {  	s3 =	simm.s32 $0x108;
	s8 =	sld [smem:$0x3FAE]  }
0x2e: {  	s3 =	simm.s32 @!p0 $0x1082;
	s9 =	sld [smem:$0x3FAF]  }
0x2f: {  	lr =	sadd.s32 s0, s3;
	s0 =	sld [smem:$0x3FA6]  }
0x30: {  	s3 =	sld [smem:$0x3FA9]  }
0x31: {  	[smem:$0x3FB2] =	sst s10  }
0x32: {  	s10 =	sld [smem:$0x3FB0];
	_ =	sdelay $0x3  }
0x33: {  	p0 =	seq.s32 s10, $0x1;
	s10 =	sld [smem:$0x3FB2];
	_ =	sdelay $0x3  }
0x34: {  	[smem:$0x3FB2] =	sst s10  }
0x35: {  	s10 =	sld [smem:$0x3FB1];
	_ =	sdelay $0x3  }
0x36: {  	p1 =	seq.s32 s10, $0x1;
	s10 =	sld [smem:$0x3FB2];
	_ =	sdelay $0x3  }
0x37: {  	[smem:$0x3FB2] =	sst s10  }
0x38: {  	s10 =	sld [smem:$0x3FB3]  }
0x39: {  	_ = 	snop;
	(pc) =	sbr.ind lr, $3  }
0x3a: {  	_ = 	snop  }
0x3b: {  	_ = 	snop  }
0x3c: {  	p2 =	seq.s32 s10, $0x1;
	s10 =	sld [smem:$0x3FB2]  }
0x3d: {  	_ =	shalt  }
0x3e: {  	_ =	shalt  }
0x3f: {  	_ =	shalt  }
0x40: {  	_ =	shalt  }
0x41: {  	_ =	shalt  }
0x42: {  	_ =	shalt  }
0x43: {  	_ =	shalt  }
0x44: {  	_ =	shalt  }
0x45: {  	_ =	shalt  }
0x46: {  	_ =	shalt  }
0x47: {  	_ =	shalt  }
0x48: {  	_ =	shalt  }
0x49: {  	_ =	shalt  }
0x4a: {  	_ =	shalt  }
0x4b: {  	_ =	shalt  }
0x4c: {  	_ =	shalt  }
0x4d: {  	_ =	shalt  }
0x4e: {  	_ =	shalt  }
0x4f: {  	_ =	shalt  }
0x50: {  	_ =	shalt  }
0x51: {  	_ =	shalt  }
0x52: {  	_ =	shalt  }
0x53: {  	_ =	shalt  }
0x54: {  	_ =	shalt  }
0x55: {  	_ =	shalt  }
0x56: {  	_ =	shalt  }
0x57: {  	_ =	shalt  }
0x58: {  	_ =	shalt  }
0x59: {  	_ =	shalt  }
0x5a: {  	_ =	shalt  }
0x5b: {  	_ =	shalt  }
0x5c: {  	_ =	shalt  }
0x5d: {  	_ =	shalt  }
0x5e: {  	_ =	shalt  }
0x5f: {  	_ =	shalt  }
0x60: {  	_ =	shalt  }
0x61: {  	_ =	shalt  }
0x62: {  	_ =	shalt  }
0x63: {  	_ =	shalt  }
0x64: {  	_ =	shalt  }
0x65: {  	_ =	shalt  }
0x66: {  	_ =	shalt  }
0x67: {  	_ =	shalt  }
0x68: {  	_ =	shalt  }
0x69: {  	_ =	shalt  }
0x6a: {  	_ =	shalt  }
0x6b: {  	_ =	shalt  }
0x6c: {  	_ =	shalt  }
0x6d: {  	_ =	shalt  }
0x6e: {  	_ =	shalt  }
0x6f: {  	_ =	shalt  }
0x70: {  	_ =	shalt  }
0x71: {  	_ =	shalt  }
0x72: {  	_ =	shalt  }
0x73: {  	_ =	shalt  }
0x74: {  	_ =	shalt  }
0x75: {  	_ =	shalt  }
0x76: {  	_ =	shalt  }
0x77: {  	_ =	shalt  }
0x78: {  	_ =	shalt  }
0x79: {  	_ =	shalt  }
0x7a: {  	_ =	shalt  }
0x7b: {  	_ =	shalt  }
0x7c: {  	_ =	shalt  }
0x7d: {  	_ =	shalt  }
0x7e: {  	_ =	shalt  }
0x7f: {  	_ =	shalt  }
0x80: {  	_ =	shalt  }
0x81: {  	_ =	shalt  }
0x82: {  	_ =	shalt  }
0x83: {  	_ =	shalt  }
0x84: {  	_ =	shalt  }
0x85: {  	_ =	shalt  }
0x86: {  	_ =	shalt  }
0x87: {  	_ =	shalt  }
.Lfunc_end0:
.L_simem_size_0:
called_computation_lowered:
.L_overlay_start_0:
0x88: {  	s2 =	sld [smem:$0x3FD9]  }
0x89: {  	s3 =	sld [smem:$0x3FFE];
	_ =	sdelay $0x1  }
0x8a: {  	s1 =	srdreg.scid  }
0x8b: {  	s0 =	sand.u32 $0x1, s1  }
0x8c: {  	s17 =	sshll.u32 s0, $0xA;
	s2 =	sadd.s32 s3, s2  }
0x8d: {  	s2 =	sadd.s32 s2, s17  }
0x8e: {  	[smem:$0x3FBE] =	sst s2  }
0x8f: {  	_ = 	snop  }
0x90: {  	s2 =	sld [smem:$0x3FD0];
	(tm) =	ssettm $0x1  }
0x91: {  	s18 =	sld [smem:$0x3FFB];
	_ =	sdelay $0x3  }
0x92: {  	_ =	strace s18  }
0x93: {  	s3 =	sld [smem:$0x3FFC];
	_ =	sdelay $0x3  }
0x94: {  	_ =	strace s3  }
0x95: {  	s3 =	sld [smem:$0x3FFD];
	_ =	sdelay $0x3  }
0x96: {  	_ =	strace s3  }
0x97: {  	_ =	strace $0x8FFFFFFF  }
0x98: {  	s19 =	sld [smem:$0x3FDB];
	_ =	sdelay $0x1  }
0x99: {  	s4 =	simm.s32 $_scs_section_size  }
0x9a: {  	s5 =	simm.s32 $_size__tile_overlayer_lowered;
	s6 =	simm.s32 $_tile_overlayer_lowered  }
0x9b: {  	s22 =	simm.s32 $0x1BFF;
	s21 =	sshll.u32 s6, $0x1;
	s3 =	sadd.s32 s4, s19  }
0x9c: {  	s7 =	simm.s32 $0x0;
	s20 =	sshll.u32 s5, $0x1;
	s5 =	sadd.s32 s21, s3  }
0x9d: {  	[timem:s7], [sflag:s22] =	dma.local [hbm:s5], s20  }
0x9e: {  	_ =	swait.ge [sflag:s22], s20  }
0x9f: {  	s4 =	ssub.s32 $0x0, s20;
	[sflag:s22] =	ssyncset.done $0x0  }
0xa0: {  	[sflag:s22] =	ssyncadd.s32 s4;
	_ =	sdelay $0x1  }
0xa1: {  	s23 =	simm.s32 $0x1B8B  }
0xa2: {  	_ =	swait.ge [sflag:s23], $0x1  }
0xa3: {  	[sflag:s23] =	ssyncset.done $0x0  }
0xa4: {  	s25 =	simm.s32 $0x1B8E;
	s24 =	sld [smem:$0x3FFE];
	[sflag:s23] =	ssyncadd.s32 $0xFFFFFFFF  }
0xa5: {  	s26 =	simm.s32 $execute0_lowered;
	[smem:$0x3FD2] =	sst s25  }
0xa6: {  	s5 =	sshll.u32 s26, $0x1;
	_ =	strace $0x80000046;
	[dreg:$0x1] =	wrdreg $0xFFFFFFFF  }
0xa7: {  	s28 =	simm.s32 $_size_execute0_lowered;
	s3 =	sadd.s32 s3, s5;
	[dreg:$0x0] =	wrdreg $0x0  }
0xa8: {  	s5 =	sshll.u32 s28, $0x1;
	[dreg:$0x2] =	wrdreg s3  }
0xa9: {  	[dreg:$0x3] =	wrdreg s5  }
0xaa: {  	[dreg:$0x4] =	wrdreg $0xC0  }
0xab: {  	_ =	task [dreg:s7], $0x5FFFF  }
0xac: {  	[dreg:$0x1] =	wrdreg $0xFFFFFFFF  }
0xad: {  	[dreg:$0x0] =	wrdreg $0x60  }
0xae: {  	[dreg:$0x2] =	wrdreg s24  }
0xaf: {  	[dreg:$0x3] =	wrdreg s2  }
0xb0: {  	[dreg:$0x4] =	wrdreg $0x9  }
0xb1: {  	_ =	task.clear_ibuf [dreg:s7], $0x5FFFF;
	_ =	strace $0x90000046  }
0xb2: {  	s29 =	simm.s32 $0x9;
	_ =	strace $0x80000048  }
0xb3: {  	_ =	swait.ge [sflag:s29], $0x1  }
0xb4: {  	[sflag:s29] =	ssyncadd.s32 $0xFFFFFFFF  }
0xb5: {  	_ =	strace $0x90000048  }
0xb6: {  	_ =	sfence  }
0xb7: {  	s30 =	sld [smem:$0x0];
	_ =	sdelay $0x2  }
0xb8: {  	s31 =	sshll.u32 s1, $0xD;
	s1 =	sshrl.u32 s1, $0x2  }
0xb9: {  	s3 =	sand.u32 $0x4000, s31;
	s1 =	sadd.s32 s1, s30  }
0xba: {  	s0 =	sor.u32 s3, s0;
	s1 =	sshll.u32 s1, $0x11  }
0xbb: {  	s0 =	sor.u32 s1, s0  }
0xbc: {  	s0 =	sadd.s32 $0x8F2B, s0  }
0xbd: {  	[sflag:s0] =	ssyncadd.remote.s32 $0x1  }
0xbe: {  	_ =	sfence.sel $0xFFFF  }
0xbf: {  	[dreg:$0x0] =	wrdreg $0xFFFFFFFF;
	(pc) =	sbr.abs _section_cstart, $3  }
0xc0: {  	[dreg:$0x1] =	wrdreg $0xFFFFFFFF  }
0xc1: {  	_ =	task.clear_ibuf [dreg:s7], $0x2FFFF;
	_ =	strace $0x9FFFFFFF  }
0xc2: {  	(tm) =	ssettm $0x7FFFFFFF  }
0xc3: {  	_ =	shalt  }
tec
execute0_lowered:
.L_overlay_start_1:
0x0: {  	(tag) =	ssettag $0x1  }
0x1: {  	s1 =	srdreg.scid;
	s0 =	stileid.u32  }
0x2: {  	s30 =	sand.u32 $0x1, s1;
	s31 =	sshll.u32 s0, $0x1  }
0x3: {  	s22 =	rddreg [dreg:$0x0];
	s12 =	sor.u32 s30, s31  }
0x4: {  	s2 =	rddreg [dreg:$0x1];
	s3 =	simm.s32 $0x0;
	s4 =	sshll.u32 s12, $0x6  }
0x5: {  	s5 =	simm.s32 $0x5;
	[smem:$0x7FF] =	sst s3;
	s6 =	sadd.s32 s4, s22  }
0x6: {  	s1 =	rddreg [dreg:$0x2];
	_ =	strace $0x80000047;
	s4 =	sadd.s32 $0xCB600, s6  }
0x7: {  	[tilespmem:s3], [sflag:$0x5] =	stream.linear.gather [hbm4b:s4+s3], $0x200, $0x38;
	[tilespmem:$0x8400] =	vst v63  }
0x8: {  	_ =	swait.ge [sflag:s5], $0x200  }
0x9: {  	[sflag:s5] =	ssyncset.done $0x0  }
0xa: {  	s7 =	simm.s32 $0x200;
	s6 =	sadd.s32 $0xCAE00, s6;
	[sflag:s5] =	ssyncadd.s32 $0xFFFFFE00  }
0xb: {  	[tilespmem:s7], [sflag:$0x5] =	stream.linear.gather [hbm4b:s6+s3], $0x200, $0x38;
	[tilespmem:$0x8400] =	vst v63  }
0xc: {  	_ =	swait.ge [sflag:s5], $0x200  }
0xd: {  	s9 =	simm.s32 $0x80;
	s10 =	simm.s32 $0x400;
	[sflag:s5] =	ssyncset.done $0x0  }
0xe: {  	s11 =	simm.s32 $0x1;
	s8 =	sadd.s32 $0x2600, s22;
	[sflag:s5] =	ssyncadd.s32 $0xFFFFFE00  }
0xf: {  	[tilespmem:s10], [sflag:$0x1] =	stream.indirect.gather [hbm4b:s8+s9], $0x80, s3, s9, $0xb8;
	[tilespmem:$0x8400] =	vst v63  }
0x10: {  	_ =	swait.ge [sflag:s11], $0x4000  }
0x11: {  	s21 =	sadd.s32 $0xCC600, s22;
	s23 =	sshll.u32 s12, $0xD;
	[sflag:s11] =	ssyncset.done $0x0  }
0x12: {  	s12 =	sadd.s32 s21, s23;
	[sflag:s11] =	ssyncadd.s32 $0xFFFFC000  }
0x13: {  	[hbm4b:s12+s3] =	stream.linear.scatter [tilespmem:s10], [sflag:$0x3], $0x4000, $0x38;
	[tilespmem:$0x8400] =	vst v63  }
0x14: {  	s13 =	simm.s32 $0x4400;
	s14 =	simm.s32 $0x2  }
0x15: {  	[tilespmem:s13], [sflag:$0x2] =	stream.indirect.gather [hbm4b:s8+s9], $0x80, s9, s9, $0xb8;
	[tilespmem:$0x8400] =	vst v63  }
0x16: {  	_ =	swait.ge [sflag:s14], $0x4000  }
0x17: {  	s24 =	sor.u32 $0x800, s23;
	[sflag:s14] =	ssyncset.done $0x0  }
0x18: {  	s16 =	simm.s32 $0x3;
	s15 =	sadd.s32 s21, s24;
	[sflag:s14] =	ssyncadd.s32 $0xFFFFC000  }
0x19: {  	[hbm4b:s15+s3] =	stream.linear.scatter [tilespmem:s13], [sflag:$0x4], $0x4000, $0x38;
	[tilespmem:$0x8400] =	vst v63  }
0x1a: {  	_ =	swait.ge [sflag:s16], $0x4000  }
0x1b: {  	[sflag:s16] =	ssyncset.done $0x0  }
0x1c: {  	s17 =	simm.s32 $0x100;
	[sflag:s16] =	ssyncadd.s32 $0xFFFFC000  }
0x1d: {  	[tilespmem:s10], [sflag:$0x1] =	stream.indirect.gather [hbm4b:s8+s9], $0x80, s17, s9, $0xb8;
	[tilespmem:$0x8400] =	vst v63  }
0x1e: {  	_ =	swait.ge [sflag:s11], $0x4000  }
0x1f: {  	s26 =	sor.u32 $0x1000, s23;
	[sflag:s11] =	ssyncset.done $0x0  }
0x20: {  	s18 =	simm.s32 $0x4;
	s19 =	sadd.s32 s21, s26;
	[sflag:s11] =	ssyncadd.s32 $0xFFFFC000  }
0x21: {  	[hbm4b:s19+s3] =	stream.linear.scatter [tilespmem:s10], [sflag:$0x3], $0x4000, $0x38;
	[tilespmem:$0x8400] =	vst v63  }
0x22: {  	_ =	swait.ge [sflag:s18], $0x4000  }
0x23: {  	[sflag:s18] =	ssyncset.done $0x0  }
0x24: {  	s20 =	simm.s32 $0x180;
	[sflag:s18] =	ssyncadd.s32 $0xFFFFC000  }
0x25: {  	[tilespmem:s13], [sflag:$0x2] =	stream.indirect.gather [hbm4b:s8+s9], $0x80, s20, s9, $0xb8;
	[tilespmem:$0x8400] =	vst v63  }
0x26: {  	_ =	swait.ge [sflag:s14], $0x4000  }
0x27: {  	s29 =	sor.u32 $0x1800, s23;
	[sflag:s14] =	ssyncset.done $0x0  }
0x28: {  	s21 =	sadd.s32 s21, s29;
	[sflag:s14] =	ssyncadd.s32 $0xFFFFC000  }
0x29: {  	[hbm4b:s21+s3] =	stream.linear.scatter [tilespmem:s13], [sflag:$0x4], $0x4000, $0x38;
	[tilespmem:$0x8400] =	vst v63  }
0x2a: {  	_ =	swait.ge [sflag:s16], $0x4000  }
0x2b: {  	[sflag:s16] =	ssyncset.done $0x0  }
0x2c: {  	[sflag:s16] =	ssyncadd.s32 $0xFFFFC000  }
0x2d: {  	[tilespmem:s10], [sflag:$0x1] =	stream.indirect.gather [hbm4b:s2+s9], $0x80, s7, s9, $0xb8;
	[tilespmem:$0x8400] =	vst v63  }
0x2e: {  	_ =	swait.ge [sflag:s11], $0x4000  }
0x2f: {  	s31 =	sadd.s32 $0x10C600, s22;
	[sflag:s11] =	ssyncset.done $0x0  }
0x30: {  	s22 =	sadd.s32 s31, s23;
	[sflag:s11] =	ssyncadd.s32 $0xFFFFC000  }
0x31: {  	[hbm4b:s22+s3] =	stream.linear.scatter [tilespmem:s10], [sflag:$0x3], $0x4000, $0x38;
	[tilespmem:$0x8400] =	vst v63  }
0x32: {  	_ =	swait.ge [sflag:s18], $0x4000  }
0x33: {  	[sflag:s18] =	ssyncset.done $0x0  }
0x34: {  	s23 =	simm.s32 $0x280;
	[sflag:s18] =	ssyncadd.s32 $0xFFFFC000  }
0x35: {  	[tilespmem:s13], [sflag:$0x2] =	stream.indirect.gather [hbm4b:s2+s9], $0x80, s23, s9, $0xb8;
	[tilespmem:$0x8400] =	vst v63  }
0x36: {  	_ =	swait.ge [sflag:s14], $0x4000  }
0x37: {  	[sflag:s14] =	ssyncset.done $0x0  }
0x38: {  	s24 =	sadd.s32 s31, s24;
	[sflag:s14] =	ssyncadd.s32 $0xFFFFC000  }
0x39: {  	[hbm4b:s24+s3] =	stream.linear.scatter [tilespmem:s13], [sflag:$0x4], $0x4000, $0x38;
	[tilespmem:$0x8400] =	vst v63  }
0x3a: {  	_ =	swait.ge [sflag:s16], $0x4000  }
0x3b: {  	[sflag:s16] =	ssyncset.done $0x0  }
0x3c: {  	s25 =	simm.s32 $0x300;
	[sflag:s16] =	ssyncadd.s32 $0xFFFFC000  }
0x3d: {  	[tilespmem:s10], [sflag:$0x1] =	stream.indirect.gather [hbm4b:s2+s9], $0x80, s25, s9, $0xb8;
	[tilespmem:$0x8400] =	vst v63  }
0x3e: {  	_ =	swait.ge [sflag:s11], $0x4000  }
0x3f: {  	[sflag:s11] =	ssyncset.done $0x0  }
0x40: {  	s26 =	sadd.s32 s31, s26;
	[sflag:s11] =	ssyncadd.s32 $0xFFFFC000  }
0x41: {  	[hbm4b:s26+s3] =	stream.linear.scatter [tilespmem:s10], [sflag:$0x3], $0x4000, $0x38;
	[tilespmem:$0x8400] =	vst v63  }
0x42: {  	_ =	swait.ge [sflag:s18], $0x4000  }
0x43: {  	s28 =	simm.s32 $0x380;
	s30 =	ssub.s32 $0x2, s30;
	[sflag:s18] =	ssyncset.done $0x0  }
0x44: {  	s29 =	sadd.s32 s31, s29;
	s31 =	sshrl.u32 s30, $0x1;
	[sflag:s18] =	ssyncadd.s32 $0xFFFFC000  }
0x45: {  	[tilespmem:s13], [sflag:$0x2] =	stream.indirect.gather [hbm4b:s2+s9], $0x80, s28, s9, $0xb8;
	[tilespmem:$0x8400] =	vst v63  }
0x46: {  	s30 =	ssub.s32 s30, s31;
	_ =	swait.ge [sflag:s14], $0x4000  }
0x47: {  	s30 =	smax.u32 s30, $0x1;
	[sflag:s14] =	ssyncset.done $0x0  }
0x48: {  	p0 =	sne.s32 s30, $0x1;
	[sflag:s14] =	ssyncadd.s32 $0xFFFFC000  }
0x49: {  	[hbm4b:s29+s3] =	stream.linear.scatter [tilespmem:s13], [sflag:$0x4], $0x4000, $0x38;
	[tilespmem:$0x8400] =	vst v63  }
.Ltmp0:
0x4a: {  	_ =	swait.ge [sflag:s16], $0x4000;
	(pc) =	sbr.rel @!p0 .LBB2_2-.Ltmp0, $4  }
0x4b: {  	[sflag:s16] =	ssyncset.done $0x0  }
0x4c: {  	[sflag:s16] =	ssyncadd.s32 $0xFFFFC000  }
0x4d: {  	_ =	swait.ge [sflag:s18], $0x4000  }
0x4e: {  	s30 =	sadd.s32 $0xFFFFFFFF, s30;
	[sflag:s18] =	ssyncset.done $0x0  }
.LBB2_1:
0x4f: {  	p0 =	sne.s32 s30, $0x1;
	s30 =	sadd.s32 $0xFFFFFFFF, s30;
	[sflag:s18] =	ssyncadd.s32 $0xFFFFC000  }
0x50: {  	[tilespmem:s3], [sflag:$0x5] =	stream.linear.gather [hbm4b:s4+s3], $0x200, $0x38;
	[tilespmem:$0x8400] =	vst v63  }
0x51: {  	_ =	swait.ge [sflag:s5], $0x200  }
0x52: {  	[sflag:s5] =	ssyncset.done $0x0  }
0x53: {  	[sflag:s5] =	ssyncadd.s32 $0xFFFFFE00  }
0x54: {  	[tilespmem:s7], [sflag:$0x5] =	stream.linear.gather [hbm4b:s6+s3], $0x200, $0x38;
	[tilespmem:$0x8400] =	vst v63  }
0x55: {  	_ =	swait.ge [sflag:s5], $0x200  }
0x56: {  	[sflag:s5] =	ssyncset.done $0x0  }
0x57: {  	[sflag:s5] =	ssyncadd.s32 $0xFFFFFE00  }
0x58: {  	[tilespmem:s10], [sflag:$0x1] =	stream.indirect.gather [hbm4b:s8+s9], $0x80, s3, s9, $0xb8;
	[tilespmem:$0x8400] =	vst v63  }
0x59: {  	_ =	swait.ge [sflag:s11], $0x4000  }
0x5a: {  	[sflag:s11] =	ssyncset.done $0x0  }
0x5b: {  	[sflag:s11] =	ssyncadd.s32 $0xFFFFC000  }
0x5c: {  	[hbm4b:s12+s3] =	stream.linear.scatter [tilespmem:s10], [sflag:$0x3], $0x4000, $0x38;
	[tilespmem:$0x8400] =	vst v63  }
0x5d: {  	_ = 	snop  }
0x5e: {  	[tilespmem:s13], [sflag:$0x2] =	stream.indirect.gather [hbm4b:s8+s9], $0x80, s9, s9, $0xb8;
	[tilespmem:$0x8400] =	vst v63  }
0x5f: {  	_ =	swait.ge [sflag:s14], $0x4000  }
0x60: {  	[sflag:s14] =	ssyncset.done $0x0  }
0x61: {  	[sflag:s14] =	ssyncadd.s32 $0xFFFFC000  }
0x62: {  	[hbm4b:s15+s3] =	stream.linear.scatter [tilespmem:s13], [sflag:$0x4], $0x4000, $0x38;
	[tilespmem:$0x8400] =	vst v63  }
0x63: {  	_ =	swait.ge [sflag:s16], $0x4000  }
0x64: {  	[sflag:s16] =	ssyncset.done $0x0  }
0x65: {  	[sflag:s16] =	ssyncadd.s32 $0xFFFFC000  }
0x66: {  	[tilespmem:s10], [sflag:$0x1] =	stream.indirect.gather [hbm4b:s8+s9], $0x80, s17, s9, $0xb8;
	[tilespmem:$0x8400] =	vst v63  }
0x67: {  	_ =	swait.ge [sflag:s11], $0x4000  }
0x68: {  	[sflag:s11] =	ssyncset.done $0x0  }
0x69: {  	[sflag:s11] =	ssyncadd.s32 $0xFFFFC000  }
0x6a: {  	[hbm4b:s19+s3] =	stream.linear.scatter [tilespmem:s10], [sflag:$0x3], $0x4000, $0x38;
	[tilespmem:$0x8400] =	vst v63  }
0x6b: {  	_ =	swait.ge [sflag:s18], $0x4000  }
0x6c: {  	[sflag:s18] =	ssyncset.done $0x0  }
0x6d: {  	[sflag:s18] =	ssyncadd.s32 $0xFFFFC000  }
0x6e: {  	[tilespmem:s13], [sflag:$0x2] =	stream.indirect.gather [hbm4b:s8+s9], $0x80, s20, s9, $0xb8;
	[tilespmem:$0x8400] =	vst v63  }
0x6f: {  	_ =	swait.ge [sflag:s14], $0x4000  }
0x70: {  	[sflag:s14] =	ssyncset.done $0x0  }
0x71: {  	[sflag:s14] =	ssyncadd.s32 $0xFFFFC000  }
0x72: {  	[hbm4b:s21+s3] =	stream.linear.scatter [tilespmem:s13], [sflag:$0x4], $0x4000, $0x38;
	[tilespmem:$0x8400] =	vst v63  }
0x73: {  	_ =	swait.ge [sflag:s16], $0x4000  }
0x74: {  	[sflag:s16] =	ssyncset.done $0x0  }
0x75: {  	[sflag:s16] =	ssyncadd.s32 $0xFFFFC000  }
0x76: {  	[tilespmem:s10], [sflag:$0x1] =	stream.indirect.gather [hbm4b:s2+s9], $0x80, s7, s9, $0xb8;
	[tilespmem:$0x8400] =	vst v63  }
0x77: {  	_ =	swait.ge [sflag:s11], $0x4000  }
0x78: {  	[sflag:s11] =	ssyncset.done $0x0  }
0x79: {  	[sflag:s11] =	ssyncadd.s32 $0xFFFFC000  }
0x7a: {  	[hbm4b:s22+s3] =	stream.linear.scatter [tilespmem:s10], [sflag:$0x3], $0x4000, $0x38;
	[tilespmem:$0x8400] =	vst v63  }
0x7b: {  	_ =	swait.ge [sflag:s18], $0x4000  }
0x7c: {  	[sflag:s18] =	ssyncset.done $0x0  }
0x7d: {  	[sflag:s18] =	ssyncadd.s32 $0xFFFFC000  }
0x7e: {  	[tilespmem:s13], [sflag:$0x2] =	stream.indirect.gather [hbm4b:s2+s9], $0x80, s23, s9, $0xb8;
	[tilespmem:$0x8400] =	vst v63  }
0x7f: {  	_ =	swait.ge [sflag:s14], $0x4000  }
0x80: {  	[sflag:s14] =	ssyncset.done $0x0  }
0x81: {  	[sflag:s14] =	ssyncadd.s32 $0xFFFFC000  }
0x82: {  	[hbm4b:s24+s3] =	stream.linear.scatter [tilespmem:s13], [sflag:$0x4], $0x4000, $0x38;
	[tilespmem:$0x8400] =	vst v63  }
0x83: {  	_ =	swait.ge [sflag:s16], $0x4000  }
0x84: {  	[sflag:s16] =	ssyncset.done $0x0  }
0x85: {  	[sflag:s16] =	ssyncadd.s32 $0xFFFFC000  }
0x86: {  	[tilespmem:s10], [sflag:$0x1] =	stream.indirect.gather [hbm4b:s2+s9], $0x80, s25, s9, $0xb8;
	[tilespmem:$0x8400] =	vst v63  }
0x87: {  	_ =	swait.ge [sflag:s11], $0x4000  }
0x88: {  	[sflag:s11] =	ssyncset.done $0x0  }
0x89: {  	[sflag:s11] =	ssyncadd.s32 $0xFFFFC000  }
0x8a: {  	[hbm4b:s26+s3] =	stream.linear.scatter [tilespmem:s10], [sflag:$0x3], $0x4000, $0x38;
	[tilespmem:$0x8400] =	vst v63  }
0x8b: {  	_ =	swait.ge [sflag:s18], $0x4000  }
0x8c: {  	[sflag:s18] =	ssyncset.done $0x0  }
0x8d: {  	[sflag:s18] =	ssyncadd.s32 $0xFFFFC000  }
0x8e: {  	[tilespmem:s13], [sflag:$0x2] =	stream.indirect.gather [hbm4b:s2+s9], $0x80, s28, s9, $0xb8;
	[tilespmem:$0x8400] =	vst v63  }
0x8f: {  	_ =	swait.ge [sflag:s14], $0x4000  }
0x90: {  	[sflag:s14] =	ssyncset.done $0x0  }
0x91: {  	[sflag:s14] =	ssyncadd.s32 $0xFFFFC000  }
0x92: {  	[hbm4b:s29+s3] =	stream.linear.scatter [tilespmem:s13], [sflag:$0x4], $0x4000, $0x38;
	[tilespmem:$0x8400] =	vst v63  }
.Ltmp1:
0x93: {  	_ =	swait.ge [sflag:s16], $0x4000;
	(pc) =	sbr.rel @p0 .LBB2_1-.Ltmp1, $4  }
0x94: {  	[sflag:s16] =	ssyncset.done $0x0  }
0x95: {  	[sflag:s16] =	ssyncadd.s32 $0xFFFFC000  }
0x96: {  	_ =	swait.ge [sflag:s18], $0x4000  }
0x97: {  	[sflag:s18] =	ssyncset.done $0x0  }
.LBB2_2:
0x98: {  	[sflag:s18] =	ssyncadd.s32 $0xFFFFC000  }
0x99: {  	_ =	sfence.sel $0x180000  }
0x9a: {  	[bflag:$0x0] =	sbarrier.arrive $0xFFFF  }
0x9b: {  	p0 =	sne.s32 s0, $0x0;
	_ =	strace $0x90000047  }
0x9c: {  	s0 =	sadd.s32 @!p0 $0x100000, s1;
	[bflag:$0x2] =	sbarrier.arrive $0xFFFF  }
0x9d: {  	[sflag:s0] =	ssyncadd.tile.s32 @!p0 $0x1;
	_ =	shalt  }
.Lfunc_end2:
_tile_overlayer_lowered:
.L_overlay_start_2:
0x9e: {  	(tag) =	ssettag $0x2  }
0x9f: {  	s0 =	rddreg [dreg:$0x0];
	s2 =	stileid.u32  }
0xa0: {  	s1 =	rddreg [dreg:$0x1];
	p0 =	sne.s32 s2, $0x0  }
0xa1: {  	s3 =	rddreg [dreg:$0x2];
	[bflag:$0x3] =	sbarrier.arrive $0xFFFF;
	s2 =	simm.s32 @!p0 $0x1C05  }
0xa2: {  	[timem:s3], [sflag:s2] =	dma.local @!p0 [hbm:s0], s1  }
0xa3: {  	s0 =	simm.s32 @!p0 $0x5  }
0xa4: {  	_ =	swait.ge @!p0 [sflag:s0], s1  }
0xa5: {  	s1 =	ssub.s32 @!p0 $0x0, s1;
	[sflag:s0] =	ssyncset.done @!p0 $0x0  }
0xa6: {  	[sflag:s0] =	ssyncadd.s32 @!p0 s1  }
0xa7: {  	[bflag:$0x3] =	sbarrier.arrive $0xFFFF  }
0xa8: {  	_ =	shalt  }

</sc_bundles>
